<compile_context>
chip_gen: v7x
topology: tpu7x:2x2x1
jax: 0.10.2.dev20260603
libtpu: 0.0.44.dev20260713+nightly
codegen_flags: <defaults>
</compile_context>

<pallas_src>
import functools

import jax
import jax.numpy as jnp
from jax import lax
from jax.experimental import pallas as pl
from jax.experimental.pallas import tpu as pltpu
from jax.experimental.pallas import tpu_sc as plsc

N_NODES = 10000
N_EDGES = 320000
D_IN = 128
D_OUT = 128

NC = 2
NS = 16
NW = NC * NS
E_PER_W = N_EDGES // NW
CHUNK = 125
NCHUNK = E_PER_W // CHUNK
N_PAD = 10112
ROWS_PER_TILE = N_PAD // NS
DEG_W = 16
NBUF = 8
PF = 4


@functools.partial(
    pl.kernel,
    out_type=(
        jax.ShapeDtypeStruct((NC, N_PAD, D_IN), jnp.bfloat16),
        jax.ShapeDtypeStruct((NC, N_PAD, DEG_W), jnp.bfloat16),
    ),
    mesh=plsc.VectorSubcoreMesh(core_axis_name="c", subcore_axis_name="s"),
    compiler_params=pltpu.CompilerParams(use_tc_tiling_on_sc=False),
    scratch_types=[
        pltpu.VMEM((NCHUNK, CHUNK), jnp.int32),
        pltpu.VMEM((NCHUNK, CHUNK), jnp.int32),
        pltpu.VMEM((NBUF, CHUNK, D_IN), jnp.bfloat16),
        pltpu.VMEM((CHUNK, DEG_W), jnp.bfloat16),
        pltpu.VMEM_SHARED((N_PAD, D_IN), jnp.bfloat16),
        pltpu.VMEM_SHARED((N_PAD, DEG_W), jnp.bfloat16),
        [pltpu.SemaphoreType.DMA] * NBUF,
        [pltpu.SemaphoreType.DMA] * NBUF,
        pltpu.SemaphoreType.DMA,
    ],
)
def _sc_aggregate(hb_hbm, edges_hbm, ones_hbm, zacc_hbm, zdeg_hbm,
                  acc_out, deg_out,
                  idx_s, idx_d, rows, ones_v, acc_sh, deg_sh,
                  gsems, ssems, dsem):
    cid = lax.axis_index("c")
    sid = lax.axis_index("s")
    wid = sid * NC + cid

    pltpu.sync_copy(edges_hbm.at[0, wid], idx_s)
    pltpu.sync_copy(edges_hbm.at[1, wid], idx_d)
    pltpu.sync_copy(ones_hbm, ones_v)

    base = sid * ROWS_PER_TILE
    pltpu.sync_copy(zacc_hbm, acc_sh.at[pl.ds(base, ROWS_PER_TILE)])
    pltpu.sync_copy(zdeg_hbm, deg_sh.at[pl.ds(base, ROWS_PER_TILE)])
    plsc.subcore_barrier()

    def start_gather(c, b):
        pltpu.async_copy(hb_hbm.at[idx_s.at[c]], rows.at[b], gsems[b])

    def wait_gather(c, b):
        pltpu.make_async_copy(hb_hbm.at[idx_s.at[c]],
                              rows.at[b], gsems[b]).wait()

    def start_scatter(c, b):
        pltpu.async_copy(rows.at[b], acc_sh.at[idx_d.at[c]], ssems[b],
                         add=True)

    def wait_scatter(c, b):
        pltpu.make_async_copy(rows.at[b], acc_sh.at[idx_d.at[c]],
                              ssems[b]).wait()

    for p in range(PF):
        start_gather(p, p)

    def body(q, carry):
        for bb in range(NBUF):
            c = NBUF * q + bb
            wait_gather(c, bb)
            start_scatter(c, bb)

            pltpu.async_copy(ones_v, deg_sh.at[idx_d.at[c]], dsem, add=True)

            nb = (bb + PF) % NBUF

            @pl.when(c + PF < NCHUNK)
            def _():
                @pl.when(c >= PF)
                def _():
                    wait_scatter(c - PF, nb)

                start_gather(c + PF, nb)

        return carry

    lax.fori_loop(0, NCHUNK // NBUF, body, 0)
    for bb in range(NBUF):
        wait_scatter(NCHUNK - NBUF + bb, bb)

    def drain_deg(c, carry):
        pltpu.make_async_copy(ones_v, deg_sh.at[idx_d.at[c]], dsem).wait()
        return carry

    lax.fori_loop(0, NCHUNK, drain_deg, 0)
    plsc.subcore_barrier()

    pltpu.sync_copy(acc_sh.at[pl.ds(base, ROWS_PER_TILE)],
                    acc_out.at[cid, pl.ds(base, ROWS_PER_TILE)])
    pltpu.sync_copy(deg_sh.at[pl.ds(base, ROWS_PER_TILE)],
                    deg_out.at[cid, pl.ds(base, ROWS_PER_TILE)])


ROW_BLK = 2000


def _tc_self_body(h_ref, w1_ref, b_ref, o_ref):
    o_ref[...] = (
        jnp.dot(h_ref[...], w1_ref[...], preferred_element_type=jnp.float32)
        + b_ref[...]
    )


def _tc_neigh_body(p_ref, a_ref, d_ref, w2_ref, o_ref):
    rdeg = 1.0 / jnp.maximum(d_ref[:, 0:1], 1.0)
    o_ref[...] = (
        p_ref[...]
        + jnp.dot(a_ref[...] * rdeg, w2_ref[...],
                  preferred_element_type=jnp.float32)
    )


def _tc_self(h, w1t, b2d):
    grid = (N_NODES // ROW_BLK,)
    return pl.pallas_call(
        _tc_self_body,
        grid=grid,
        in_specs=[
            pl.BlockSpec((ROW_BLK, D_IN), lambda i: (i, 0)),
            pl.BlockSpec((D_IN, D_OUT), lambda i: (0, 0)),
            pl.BlockSpec((1, D_OUT), lambda i: (0, 0)),
        ],
        out_specs=pl.BlockSpec((ROW_BLK, D_OUT), lambda i: (i, 0)),
        out_shape=jax.ShapeDtypeStruct((N_NODES, D_OUT), jnp.float32),
    )(h, w1t, b2d)


def _tc_neigh(partial, acc_sum, deg_sum, w2t):
    grid = (N_NODES // ROW_BLK,)
    return pl.pallas_call(
        _tc_neigh_body,
        grid=grid,
        in_specs=[
            pl.BlockSpec((ROW_BLK, D_OUT), lambda i: (i, 0)),
            pl.BlockSpec((ROW_BLK, D_IN), lambda i: (i, 0)),
            pl.BlockSpec((ROW_BLK, DEG_W), lambda i: (i, 0)),
            pl.BlockSpec((D_IN, D_OUT), lambda i: (0, 0)),
        ],
        out_specs=pl.BlockSpec((ROW_BLK, D_OUT), lambda i: (i, 0)),
        out_shape=jax.ShapeDtypeStruct((N_NODES, D_OUT), jnp.float32),
    )(partial, acc_sum, deg_sum, w2t)


def kernel(h, edge_index, W, b):
    edges = edge_index.astype(jnp.int32).reshape(2, NW, NCHUNK, CHUNK)
    hb = h.astype(jnp.bfloat16)
    ones = jnp.ones((CHUNK, DEG_W), dtype=jnp.bfloat16)
    zacc = jnp.zeros((ROWS_PER_TILE, D_IN), dtype=jnp.bfloat16)
    zdeg = jnp.zeros((ROWS_PER_TILE, DEG_W), dtype=jnp.bfloat16)

    acc, deg = _sc_aggregate(hb, edges, ones, zacc, zdeg)

    w1t = W[:, :D_IN].T
    w2t = W[:, D_IN:].T
    b2d = b.reshape(1, D_OUT)
    partial = _tc_self(h, w1t, b2d)
    acc_sum = acc[0].astype(jnp.float32) + acc[1].astype(jnp.float32)
    deg_sum = deg[0].astype(jnp.float32) + deg[1].astype(jnp.float32)
    return _tc_neigh(partial, acc_sum, deg_sum, w2t)

# --- scband reference (transcript-rebuilt; emitter-appended) ---
"""Pipeline reference for scband-sageconv-2293512536931 (READ-ONLY COPY).

The authoritative reference and input builder live on the scoring server;
editing this copy changes nothing except your own understanding.
"""

import jax, jax.numpy as jnp
import numpy as np

N_NODES = 10000
N_EDGES = 320000
D_IN = 128
D_OUT = 128


def setup_inputs(seed: int = 0) -> dict:
    key = jax.random.key(seed)
    k1, k2, k3, k4 = jax.random.split(key, 4)
    h = jax.random.normal(k1, (N_NODES, D_IN), dtype=jnp.float32)
    edge_index = jax.random.randint(k2, (2, N_EDGES), 0, N_NODES, dtype=jnp.int64)
    # nn.Linear(2*in_feat, out_feat): weight [out, 2*in], bias [out]
    bound = 1.0 / np.sqrt(2 * D_IN)
    W = jax.random.uniform(k3, (D_OUT, 2 * D_IN), minval=-bound, maxval=bound, dtype=jnp.float32)
    b = jax.random.uniform(k4, (D_OUT,), minval=-bound, maxval=bound, dtype=jnp.float32)
    return {"h": h, "edge_index": edge_index, "W": W, "b": b}


def reference(h, edge_index, W, b):
    # DGL update_all(copy_u('h','m'), mean('m','h_N')):
    # for each dst node, mean of source-node features over incoming edges.
    src = edge_index[0]
    dst = edge_index[1]
    msgs = jnp.take(h, src, axis=0)  # gather: [E, D_IN]
    summed = jax.ops.segment_sum(msgs, dst, num_segments=N_NODES)  # scatter-add
    deg = jax.ops.segment_sum(jnp.ones((src.shape[0],), dtype=h.dtype), dst, num_segments=N_NODES)
    # nodes with zero in-degree get h_N = 0 (DGL mean semantics)
    h_N = summed / jnp.maximum(deg, 1.0)[:, None]
    h_total = jnp.concatenate([h, h_N], axis=1)  # [N, 2*D_IN]
    out = h_total @ W.T + b
    return out

if __name__ == "__main__":
    import jax
    _d = setup_inputs()
    print(jax.jit(kernel)(*tuple(_d.values())))

</pallas_src>

<mosaic_0001>
#map = affine_map<(d0, d1) -> (0, 0)>
#map1 = affine_map<(d0, d1) -> (0, 0, 0, 0)>
#map2 = affine_map<(d0, d1) -> (0, 0, 0)>
module attributes {stable_mosaic.version = 14 : i64} {
  func.func @_sc_aggregate(%arg0: i32, %arg1: i32, %arg2: memref<10000x128xbf16, #tpu.memory_space<hbm>>, %arg3: memref<2x32x80x125xi32, #tpu.memory_space<hbm>>, %arg4: memref<125x16xbf16, #tpu.memory_space<hbm>>, %arg5: memref<632x128xbf16, #tpu.memory_space<hbm>>, %arg6: memref<632x16xbf16, #tpu.memory_space<hbm>>, %arg7: memref<2x10112x128xbf16, #tpu.memory_space<hbm>>, %arg8: memref<2x10112x16xbf16, #tpu.memory_space<hbm>>, %arg9: memref<80x125xi32, #tpu.memory_space<vmem>>, %arg10: memref<80x125xi32, #tpu.memory_space<vmem>>, %arg11: memref<8x125x128xbf16, #tpu.memory_space<vmem>>, %arg12: memref<125x16xbf16, #tpu.memory_space<vmem>>, %arg13: memref<10112x128xbf16, #tpu.memory_space<vmem_shared>>, %arg14: memref<10112x16xbf16, #tpu.memory_space<vmem_shared>>, %arg15: memref<!tpu.dma_semaphore, #tpu.memory_space<semaphore_mem>>, %arg16: memref<!tpu.dma_semaphore, #tpu.memory_space<semaphore_mem>>, %arg17: memref<!tpu.dma_semaphore, #tpu.memory_space<semaphore_mem>>, %arg18: memref<!tpu.dma_semaphore, #tpu.memory_space<semaphore_mem>>, %arg19: memref<!tpu.dma_semaphore, #tpu.memory_space<semaphore_mem>>, %arg20: memref<!tpu.dma_semaphore, #tpu.memory_space<semaphore_mem>>, %arg21: memref<!tpu.dma_semaphore, #tpu.memory_space<semaphore_mem>>, %arg22: memref<!tpu.dma_semaphore, #tpu.memory_space<semaphore_mem>>, %arg23: memref<!tpu.dma_semaphore, #tpu.memory_space<semaphore_mem>>, %arg24: memref<!tpu.dma_semaphore, #tpu.memory_space<semaphore_mem>>, %arg25: memref<!tpu.dma_semaphore, #tpu.memory_space<semaphore_mem>>, %arg26: memref<!tpu.dma_semaphore, #tpu.memory_space<semaphore_mem>>, %arg27: memref<!tpu.dma_semaphore, #tpu.memory_space<semaphore_mem>>, %arg28: memref<!tpu.dma_semaphore, #tpu.memory_space<semaphore_mem>>, %arg29: memref<!tpu.dma_semaphore, #tpu.memory_space<semaphore_mem>>, %arg30: memref<!tpu.dma_semaphore, #tpu.memory_space<semaphore_mem>>, %arg31: memref<!tpu.dma_semaphore, #tpu.memory_space<semaphore_mem>>) attributes {dimension_semantics = [#tpu.dimension_semantics<core_parallel>, #tpu.dimension_semantics<subcore_parallel>], iteration_bounds = array<i64: 2, 16>, scalar_prefetch = 0 : i64, scratch_operands = 23 : i64, tpu.core_type = #tpu.core_type<sc_vector_subcore>, window_params = [{transform_indices = #map}, {transform_indices = #map1}, {transform_indices = #map}, {transform_indices = #map}, {transform_indices = #map}, {transform_indices = #map2}, {transform_indices = #map2}]} {
    %mul3A = arith.constant 2 : i32
    %mul3A_0 = arith.muli %arg1, %mul3A : i32
    %add3A = arith.addi %mul3A_0, %arg0 : i32
    %run_scoped3A = arith.constant 0 : i32
    "tpu.region"() ({
      %run_scoped3A_158 = tpu.sem_alloc : memref<!tpu.dma_semaphore, #tpu.memory_space<semaphore_mem>>
      %dma_start3A_159 = arith.constant 0 : i32
      %dma_start3A_160 = arith.constant 0 : i32
      %dma_start3A_161 = tpu.memref_slice %arg3[%run_scoped3A, %add3A, %dma_start3A_159, %dma_start3A_160] : memref<2x32x80x125xi32, #tpu.memory_space<hbm>> -> memref<1x1x80x125xi32, #tpu.memory_space<hbm>>
      %dma_start3A_162 = tpu.memref_squeeze %dma_start3A_161 : memref<1x1x80x125xi32, #tpu.memory_space<hbm>> -> memref<80x125xi32, #tpu.memory_space<hbm>>
      %dma_start3A_163 = arith.constant 0 : i32
      %dma_start3A_164 = arith.constant 0 : i32
      %dma_start3A_165 = tpu.memref_slice %arg3[%run_scoped3A, %add3A, %dma_start3A_163, %dma_start3A_164] : memref<2x32x80x125xi32, #tpu.memory_space<hbm>> -> memref<1x1x80x125xi32, #tpu.memory_space<hbm>>
      %dma_start3A_166 = tpu.memref_squeeze %dma_start3A_165 : memref<1x1x80x125xi32, #tpu.memory_space<hbm>> -> memref<80x125xi32, #tpu.memory_space<hbm>>
      tpu.enqueue_dma source(%dma_start3A_166 : memref<80x125xi32, #tpu.memory_space<hbm>>) target(%arg9 : memref<80x125xi32, #tpu.memory_space<vmem>>) target_semaphore(%run_scoped3A_158 : memref<!tpu.dma_semaphore, #tpu.memory_space<semaphore_mem>>)
      %dma_wait3A_167 = arith.constant 0 : i32
      %dma_wait3A_168 = arith.constant 0 : i32
      %dma_wait3A_169 = tpu.memref_slice %arg3[%run_scoped3A, %add3A, %dma_wait3A_167, %dma_wait3A_168] : memref<2x32x80x125xi32, #tpu.memory_space<hbm>> -> memref<1x1x80x125xi32, #tpu.memory_space<hbm>>
      %dma_wait3A_170 = tpu.memref_squeeze %dma_wait3A_169 : memref<1x1x80x125xi32, #tpu.memory_space<hbm>> -> memref<80x125xi32, #tpu.memory_space<hbm>>
      %dma_wait3A_171 = arith.constant 0 : i32
      %dma_wait3A_172 = arith.constant 0 : i32
      %dma_wait3A_173 = tpu.memref_slice %arg3[%run_scoped3A, %add3A, %dma_wait3A_171, %dma_wait3A_172] : memref<2x32x80x125xi32, #tpu.memory_space<hbm>> -> memref<1x1x80x125xi32, #tpu.memory_space<hbm>>
      %dma_wait3A_174 = tpu.memref_squeeze %dma_wait3A_173 : memref<1x1x80x125xi32, #tpu.memory_space<hbm>> -> memref<80x125xi32, #tpu.memory_space<hbm>>
      tpu.wait_dma2 semaphore(%run_scoped3A_158 : memref<!tpu.dma_semaphore, #tpu.memory_space<semaphore_mem>>) src(%dma_wait3A_174 : memref<80x125xi32, #tpu.memory_space<hbm>>) dst(%arg9 : memref<80x125xi32, #tpu.memory_space<vmem>>)
      tpu.yield
    }) : () -> ()
    %run_scoped3A_1 = arith.constant 1 : i32
    "tpu.region"() ({
      %run_scoped3A_158 = tpu.sem_alloc : memref<!tpu.dma_semaphore, #tpu.memory_space<semaphore_mem>>
      %dma_start3A_159 = arith.constant 0 : i32
      %dma_start3A_160 = arith.constant 0 : i32
      %dma_start3A_161 = tpu.memref_slice %arg3[%run_scoped3A_1, %add3A, %dma_start3A_159, %dma_start3A_160] : memref<2x32x80x125xi32, #tpu.memory_space<hbm>> -> memref<1x1x80x125xi32, #tpu.memory_space<hbm>>
      %dma_start3A_162 = tpu.memref_squeeze %dma_start3A_161 : memref<1x1x80x125xi32, #tpu.memory_space<hbm>> -> memref<80x125xi32, #tpu.memory_space<hbm>>
      %dma_start3A_163 = arith.constant 0 : i32
      %dma_start3A_164 = arith.constant 0 : i32
      %dma_start3A_165 = tpu.memref_slice %arg3[%run_scoped3A_1, %add3A, %dma_start3A_163, %dma_start3A_164] : memref<2x32x80x125xi32, #tpu.memory_space<hbm>> -> memref<1x1x80x125xi32, #tpu.memory_space<hbm>>
      %dma_start3A_166 = tpu.memref_squeeze %dma_start3A_165 : memref<1x1x80x125xi32, #tpu.memory_space<hbm>> -> memref<80x125xi32, #tpu.memory_space<hbm>>
      tpu.enqueue_dma source(%dma_start3A_166 : memref<80x125xi32, #tpu.memory_space<hbm>>) target(%arg10 : memref<80x125xi32, #tpu.memory_space<vmem>>) target_semaphore(%run_scoped3A_158 : memref<!tpu.dma_semaphore, #tpu.memory_space<semaphore_mem>>)
      %dma_wait3A_167 = arith.constant 0 : i32
      %dma_wait3A_168 = arith.constant 0 : i32
      %dma_wait3A_169 = tpu.memref_slice %arg3[%run_scoped3A_1, %add3A, %dma_wait3A_167, %dma_wait3A_168] : memref<2x32x80x125xi32, #tpu.memory_space<hbm>> -> memref<1x1x80x125xi32, #tpu.memory_space<hbm>>
      %dma_wait3A_170 = tpu.memref_squeeze %dma_wait3A_169 : memref<1x1x80x125xi32, #tpu.memory_space<hbm>> -> memref<80x125xi32, #tpu.memory_space<hbm>>
      %dma_wait3A_171 = arith.constant 0 : i32
      %dma_wait3A_172 = arith.constant 0 : i32
      %dma_wait3A_173 = tpu.memref_slice %arg3[%run_scoped3A_1, %add3A, %dma_wait3A_171, %dma_wait3A_172] : memref<2x32x80x125xi32, #tpu.memory_space<hbm>> -> memref<1x1x80x125xi32, #tpu.memory_space<hbm>>
      %dma_wait3A_174 = tpu.memref_squeeze %dma_wait3A_173 : memref<1x1x80x125xi32, #tpu.memory_space<hbm>> -> memref<80x125xi32, #tpu.memory_space<hbm>>
      tpu.wait_dma2 semaphore(%run_scoped3A_158 : memref<!tpu.dma_semaphore, #tpu.memory_space<semaphore_mem>>) src(%dma_wait3A_174 : memref<80x125xi32, #tpu.memory_space<hbm>>) dst(%arg10 : memref<80x125xi32, #tpu.memory_space<vmem>>)
      tpu.yield
    }) : () -> ()
    "tpu.region"() ({
      %run_scoped3A_158 = tpu.sem_alloc : memref<!tpu.dma_semaphore, #tpu.memory_space<semaphore_mem>>
      tpu.enqueue_dma source(%arg4 : memref<125x16xbf16, #tpu.memory_space<hbm>>) target(%arg12 : memref<125x16xbf16, #tpu.memory_space<vmem>>) target_semaphore(%run_scoped3A_158 : memref<!tpu.dma_semaphore, #tpu.memory_space<semaphore_mem>>)
      tpu.wait_dma2 semaphore(%run_scoped3A_158 : memref<!tpu.dma_semaphore, #tpu.memory_space<semaphore_mem>>) src(%arg4 : memref<125x16xbf16, #tpu.memory_space<hbm>>) dst(%arg12 : memref<125x16xbf16, #tpu.memory_space<vmem>>)
      tpu.yield
    }) : () -> ()
    %mul3A_2 = arith.constant 632 : i32
    %mul3A_3 = arith.muli %arg1, %mul3A_2 : i32
    "tpu.region"() ({
      %run_scoped3A_158 = tpu.sem_alloc : memref<!tpu.dma_semaphore, #tpu.memory_space<semaphore_mem>>
      %dma_start3A_159 = arith.constant 0 : i32
      %dma_start3A_160 = tpu.memref_slice %arg13[%mul3A_3, %dma_start3A_159] : memref<10112x128xbf16, #tpu.memory_space<vmem_shared>> -> memref<632x128xbf16, #tpu.memory_space<vmem_shared>>
      tpu.enqueue_dma source(%arg5 : memref<632x128xbf16, #tpu.memory_space<hbm>>) target(%dma_start3A_160 : memref<632x128xbf16, #tpu.memory_space<vmem_shared>>) target_semaphore(%run_scoped3A_158 : memref<!tpu.dma_semaphore, #tpu.memory_space<semaphore_mem>>)
      %dma_wait3A_161 = arith.constant 0 : i32
      %dma_wait3A_162 = tpu.memref_slice %arg13[%mul3A_3, %dma_wait3A_161] : memref<10112x128xbf16, #tpu.memory_space<vmem_shared>> -> memref<632x128xbf16, #tpu.memory_space<vmem_shared>>
      tpu.wait_dma2 semaphore(%run_scoped3A_158 : memref<!tpu.dma_semaphore, #tpu.memory_space<semaphore_mem>>) src(%arg5 : memref<632x128xbf16, #tpu.memory_space<hbm>>) dst(%dma_wait3A_162 : memref<632x128xbf16, #tpu.memory_space<vmem_shared>>)
      tpu.yield
    }) : () -> ()
    "tpu.region"() ({
      %run_scoped3A_158 = tpu.sem_alloc : memref<!tpu.dma_semaphore, #tpu.memory_space<semaphore_mem>>
      %dma_start3A_159 = arith.constant 0 : i32
      %dma_start3A_160 = tpu.memref_slice %arg14[%mul3A_3, %dma_start3A_159] : memref<10112x16xbf16, #tpu.memory_space<vmem_shared>> -> memref<632x16xbf16, #tpu.memory_space<vmem_shared>>
      tpu.enqueue_dma source(%arg6 : memref<632x16xbf16, #tpu.memory_space<hbm>>) target(%dma_start3A_160 : memref<632x16xbf16, #tpu.memory_space<vmem_shared>>) target_semaphore(%run_scoped3A_158 : memref<!tpu.dma_semaphore, #tpu.memory_space<semaphore_mem>>)
      %dma_wait3A_161 = arith.constant 0 : i32
      %dma_wait3A_162 = tpu.memref_slice %arg14[%mul3A_3, %dma_wait3A_161] : memref<10112x16xbf16, #tpu.memory_space<vmem_shared>> -> memref<632x16xbf16, #tpu.memory_space<vmem_shared>>
      tpu.wait_dma2 semaphore(%run_scoped3A_158 : memref<!tpu.dma_semaphore, #tpu.memory_space<semaphore_mem>>) src(%arg6 : memref<632x16xbf16, #tpu.memory_space<hbm>>) dst(%dma_wait3A_162 : memref<632x16xbf16, #tpu.memory_space<vmem_shared>>)
      tpu.yield
    }) : () -> ()
    %barrier3A = arith.constant 0 : index
    tpu.barrier barrier_id(%barrier3A)
    %dma_start3A = arith.constant 0 : i32
    %dma_start3A_4 = arith.constant 0 : i32
    %dma_start3A_5 = arith.constant 0 : i32
    %dma_start3A_6 = arith.constant 0 : i32
    %dma_start3A_7 = tpu.memref_slice %arg11[%dma_start3A_4, %dma_start3A_5, %dma_start3A_6] : memref<8x125x128xbf16, #tpu.memory_space<vmem>> -> memref<1x125x128xbf16, #tpu.memory_space<vmem>>
    %dma_start3A_8 = tpu.memref_squeeze %dma_start3A_7 : memref<1x125x128xbf16, #tpu.memory_space<vmem>> -> memref<125x128xbf16, #tpu.memory_space<vmem>>
    %dma_start3A_9 = arith.constant 0 : i32
    %dma_start3A_10 = tpu.memref_slice %arg9[%dma_start3A, %dma_start3A_9] : memref<80x125xi32, #tpu.memory_space<vmem>> -> memref<1x125xi32, #tpu.memory_space<vmem>>
    %dma_start3A_11 = tpu.memref_squeeze %dma_start3A_10 : memref<1x125xi32, #tpu.memory_space<vmem>> -> memref<125xi32, #tpu.memory_space<vmem>>
    %dma_start3A_12 = arith.constant 0 : i32
    %dma_start3A_13 = arith.constant 0 : i32
    %dma_start3A_14 = tpu.memref_slice %arg2[%dma_start3A_12, %dma_start3A_13] : memref<10000x128xbf16, #tpu.memory_space<hbm>> -> memref<10000x128xbf16, #tpu.memory_space<hbm>>
    tpu.enqueue_indirect_dma source(%dma_start3A_14 : memref<10000x128xbf16, #tpu.memory_space<hbm>>) target(%dma_start3A_8 : memref<125x128xbf16, #tpu.memory_space<vmem>>) offsets(%dma_start3A_11 : memref<125xi32, #tpu.memory_space<vmem>>) semaphore(%arg15 : memref<!tpu.dma_semaphore, #tpu.memory_space<semaphore_mem>>)
    %dma_start3A_15 = arith.constant 1 : i32
    %dma_start3A_16 = arith.constant 1 : i32
    %dma_start3A_17 = arith.constant 0 : i32
    %dma_start3A_18 = arith.constant 0 : i32
    %dma_start3A_19 = tpu.memref_slice %arg11[%dma_start3A_16, %dma_start3A_17, %dma_start3A_18] : memref<8x125x128xbf16, #tpu.memory_space<vmem>> -> memref<1x125x128xbf16, #tpu.memory_space<vmem>>
    %dma_start3A_20 = tpu.memref_squeeze %dma_start3A_19 : memref<1x125x128xbf16, #tpu.memory_space<vmem>> -> memref<125x128xbf16, #tpu.memory_space<vmem>>
    %dma_start3A_21 = arith.constant 0 : i32
    %dma_start3A_22 = tpu.memref_slice %arg9[%dma_start3A_15, %dma_start3A_21] : memref<80x125xi32, #tpu.memory_space<vmem>> -> memref<1x125xi32, #tpu.memory_space<vmem>>
    %dma_start3A_23 = tpu.memref_squeeze %dma_start3A_22 : memref<1x125xi32, #tpu.memory_space<vmem>> -> memref<125xi32, #tpu.memory_space<vmem>>
    %dma_start3A_24 = arith.constant 0 : i32
    %dma_start3A_25 = arith.constant 0 : i32
    %dma_start3A_26 = tpu.memref_slice %arg2[%dma_start3A_24, %dma_start3A_25] : memref<10000x128xbf16, #tpu.memory_space<hbm>> -> memref<10000x128xbf16, #tpu.memory_space<hbm>>
    tpu.enqueue_indirect_dma source(%dma_start3A_26 : memref<10000x128xbf16, #tpu.memory_space<hbm>>) target(%dma_start3A_20 : memref<125x128xbf16, #tpu.memory_space<vmem>>) offsets(%dma_start3A_23 : memref<125xi32, #tpu.memory_space<vmem>>) semaphore(%arg16 : memref<!tpu.dma_semaphore, #tpu.memory_space<semaphore_mem>>)
    %dma_start3A_27 = arith.constant 2 : i32
    %dma_start3A_28 = arith.constant 2 : i32
    %dma_start3A_29 = arith.constant 0 : i32
    %dma_start3A_30 = arith.constant 0 : i32
    %dma_start3A_31 = tpu.memref_slice %arg11[%dma_start3A_28, %dma_start3A_29, %dma_start3A_30] : memref<8x125x128xbf16, #tpu.memory_space<vmem>> -> memref<1x125x128xbf16, #tpu.memory_space<vmem>>
    %dma_start3A_32 = tpu.memref_squeeze %dma_start3A_31 : memref<1x125x128xbf16, #tpu.memory_space<vmem>> -> memref<125x128xbf16, #tpu.memory_space<vmem>>
    %dma_start3A_33 = arith.constant 0 : i32
    %dma_start3A_34 = tpu.memref_slice %arg9[%dma_start3A_27, %dma_start3A_33] : memref<80x125xi32, #tpu.memory_space<vmem>> -> memref<1x125xi32, #tpu.memory_space<vmem>>
    %dma_start3A_35 = tpu.memref_squeeze %dma_start3A_34 : memref<1x125xi32, #tpu.memory_space<vmem>> -> memref<125xi32, #tpu.memory_space<vmem>>
    %dma_start3A_36 = arith.constant 0 : i32
    %dma_start3A_37 = arith.constant 0 : i32
    %dma_start3A_38 = tpu.memref_slice %arg2[%dma_start3A_36, %dma_start3A_37] : memref<10000x128xbf16, #tpu.memory_space<hbm>> -> memref<10000x128xbf16, #tpu.memory_space<hbm>>
    tpu.enqueue_indirect_dma source(%dma_start3A_38 : memref<10000x128xbf16, #tpu.memory_space<hbm>>) target(%dma_start3A_32 : memref<125x128xbf16, #tpu.memory_space<vmem>>) offsets(%dma_start3A_35 : memref<125xi32, #tpu.memory_space<vmem>>) semaphore(%arg17 : memref<!tpu.dma_semaphore, #tpu.memory_space<semaphore_mem>>)
    %dma_start3A_39 = arith.constant 3 : i32
    %dma_start3A_40 = arith.constant 3 : i32
    %dma_start3A_41 = arith.constant 0 : i32
    %dma_start3A_42 = arith.constant 0 : i32
    %dma_start3A_43 = tpu.memref_slice %arg11[%dma_start3A_40, %dma_start3A_41, %dma_start3A_42] : memref<8x125x128xbf16, #tpu.memory_space<vmem>> -> memref<1x125x128xbf16, #tpu.memory_space<vmem>>
    %dma_start3A_44 = tpu.memref_squeeze %dma_start3A_43 : memref<1x125x128xbf16, #tpu.memory_space<vmem>> -> memref<125x128xbf16, #tpu.memory_space<vmem>>
    %dma_start3A_45 = arith.constant 0 : i32
    %dma_start3A_46 = tpu.memref_slice %arg9[%dma_start3A_39, %dma_start3A_45] : memref<80x125xi32, #tpu.memory_space<vmem>> -> memref<1x125xi32, #tpu.memory_space<vmem>>
    %dma_start3A_47 = tpu.memref_squeeze %dma_start3A_46 : memref<1x125xi32, #tpu.memory_space<vmem>> -> memref<125xi32, #tpu.memory_space<vmem>>
    %dma_start3A_48 = arith.constant 0 : i32
    %dma_start3A_49 = arith.constant 0 : i32
    %dma_start3A_50 = tpu.memref_slice %arg2[%dma_start3A_48, %dma_start3A_49] : memref<10000x128xbf16, #tpu.memory_space<hbm>> -> memref<10000x128xbf16, #tpu.memory_space<hbm>>
    tpu.enqueue_indirect_dma source(%dma_start3A_50 : memref<10000x128xbf16, #tpu.memory_space<hbm>>) target(%dma_start3A_44 : memref<125x128xbf16, #tpu.memory_space<vmem>>) offsets(%dma_start3A_47 : memref<125xi32, #tpu.memory_space<vmem>>) semaphore(%arg18 : memref<!tpu.dma_semaphore, #tpu.memory_space<semaphore_mem>>)
    %scan3A = arith.constant 0 : i32
    %scan3A_51 = arith.constant 0 : i32
    %scan3A_52 = arith.constant 10 : i32
    %scan3A_53 = arith.addi %scan3A_51, %scan3A_52 : i32
    %scan3A_54 = arith.constant 1 : i32
    scf.for %scan3A_158 = %scan3A_51 to %scan3A_53 step %scan3A_54  : i32 {
      %mul3A_159 = arith.constant 8 : i32
      %mul3A_160 = arith.muli %mul3A_159, %scan3A_158 : i32
      %add3A_161 = arith.constant 0 : i32
      %add3A_162 = arith.addi %mul3A_160, %add3A_161 : i32
      %dma_wait3A_163 = arith.constant 0 : i32
      %dma_wait3A_164 = arith.constant 0 : i32
      %dma_wait3A_165 = arith.constant 0 : i32
      %dma_wait3A_166 = tpu.memref_slice %arg11[%dma_wait3A_163, %dma_wait3A_164, %dma_wait3A_165] : memref<8x125x128xbf16, #tpu.memory_space<vmem>> -> memref<1x125x128xbf16, #tpu.memory_space<vmem>>
      %dma_wait3A_167 = tpu.memref_squeeze %dma_wait3A_166 : memref<1x125x128xbf16, #tpu.memory_space<vmem>> -> memref<125x128xbf16, #tpu.memory_space<vmem>>
      %dma_wait3A_168 = arith.constant 0 : i32
      %dma_wait3A_169 = tpu.memref_slice %arg9[%add3A_162, %dma_wait3A_168] : memref<80x125xi32, #tpu.memory_space<vmem>> -> memref<1x125xi32, #tpu.memory_space<vmem>>
      %dma_wait3A_170 = tpu.memref_squeeze %dma_wait3A_169 : memref<1x125xi32, #tpu.memory_space<vmem>> -> memref<125xi32, #tpu.memory_space<vmem>>
      %dma_wait3A_171 = arith.constant 0 : i32
      %dma_wait3A_172 = arith.constant 0 : i32
      %dma_wait3A_173 = tpu.memref_slice %arg2[%dma_wait3A_171, %dma_wait3A_172] : memref<10000x128xbf16, #tpu.memory_space<hbm>> -> memref<10000x128xbf16, #tpu.memory_space<hbm>>
      tpu.wait_indirect_dma semaphore(%arg15 : memref<!tpu.dma_semaphore, #tpu.memory_space<semaphore_mem>>) src(%dma_wait3A_173 : memref<10000x128xbf16, #tpu.memory_space<hbm>>) dst(%dma_wait3A_167 : memref<125x128xbf16, #tpu.memory_space<vmem>>)
      %dma_start3A_174 = arith.constant 0 : i32
      %dma_start3A_175 = arith.constant 0 : i32
      %dma_start3A_176 = arith.constant 0 : i32
      %dma_start3A_177 = tpu.memref_slice %arg11[%dma_start3A_174, %dma_start3A_175, %dma_start3A_176] : memref<8x125x128xbf16, #tpu.memory_space<vmem>> -> memref<1x125x128xbf16, #tpu.memory_space<vmem>>
      %dma_start3A_178 = tpu.memref_squeeze %dma_start3A_177 : memref<1x125x128xbf16, #tpu.memory_space<vmem>> -> memref<125x128xbf16, #tpu.memory_space<vmem>>
      %dma_start3A_179 = arith.constant 0 : i32
      %dma_start3A_180 = tpu.memref_slice %arg10[%add3A_162, %dma_start3A_179] : memref<80x125xi32, #tpu.memory_space<vmem>> -> memref<1x125xi32, #tpu.memory_space<vmem>>
      %dma_start3A_181 = tpu.memref_squeeze %dma_start3A_180 : memref<1x125xi32, #tpu.memory_space<vmem>> -> memref<125xi32, #tpu.memory_space<vmem>>
      %dma_start3A_182 = arith.constant 0 : i32
      %dma_start3A_183 = arith.constant 0 : i32
      %dma_start3A_184 = tpu.memref_slice %arg13[%dma_start3A_182, %dma_start3A_183] : memref<10112x128xbf16, #tpu.memory_space<vmem_shared>> -> memref<10112x128xbf16, #tpu.memory_space<vmem_shared>>
      tpu.enqueue_indirect_dma source(%dma_start3A_178 : memref<125x128xbf16, #tpu.memory_space<vmem>>) target(%dma_start3A_184 : memref<10112x128xbf16, #tpu.memory_space<vmem_shared>>) offsets(%dma_start3A_181 : memref<125xi32, #tpu.memory_space<vmem>>) semaphore(%arg23 : memref<!tpu.dma_semaphore, #tpu.memory_space<semaphore_mem>>) {add = true}
      %dma_start3A_185 = arith.constant 0 : i32
      %dma_start3A_186 = tpu.memref_slice %arg10[%add3A_162, %dma_start3A_185] : memref<80x125xi32, #tpu.memory_space<vmem>> -> memref<1x125xi32, #tpu.memory_space<vmem>>
      %dma_start3A_187 = tpu.memref_squeeze %dma_start3A_186 : memref<1x125xi32, #tpu.memory_space<vmem>> -> memref<125xi32, #tpu.memory_space<vmem>>
      %dma_start3A_188 = arith.constant 0 : i32
      %dma_start3A_189 = arith.constant 0 : i32
      %dma_start3A_190 = tpu.memref_slice %arg14[%dma_start3A_188, %dma_start3A_189] : memref<10112x16xbf16, #tpu.memory_space<vmem_shared>> -> memref<10112x16xbf16, #tpu.memory_space<vmem_shared>>
      tpu.enqueue_indirect_dma source(%arg12 : memref<125x16xbf16, #tpu.memory_space<vmem>>) target(%dma_start3A_190 : memref<10112x16xbf16, #tpu.memory_space<vmem_shared>>) offsets(%dma_start3A_187 : memref<125xi32, #tpu.memory_space<vmem>>) semaphore(%arg31 : memref<!tpu.dma_semaphore, #tpu.memory_space<semaphore_mem>>) {add = true}
      %add3A_191 = arith.constant 4 : i32
      %add3A_192 = arith.addi %add3A_162, %add3A_191 : i32
      %lt3A = arith.constant 80 : i32
      %lt3A_193 = arith.cmpi slt, %add3A_192, %lt3A : i32
      %convert_element_type3A = arith.extui %lt3A_193 : i1 to i32
      %cond3A = arith.constant 0 : i32
      %cond3A_194 = arith.cmpi ne, %convert_element_type3A, %cond3A : i32
      scf.if %cond3A_194 {
        %ge3A = arith.constant 4 : i32
        %ge3A_468 = arith.cmpi sge, %add3A_162, %ge3A : i32
        %convert_element_type3A_469 = arith.extui %ge3A_468 : i1 to i32
        %cond3A_470 = arith.constant 0 : i32
        %cond3A_471 = arith.cmpi ne, %convert_element_type3A_469, %cond3A_470 : i32
        scf.if %cond3A_471 {
          %sub3A = arith.constant 4 : i32
          %sub3A_485 = arith.subi %add3A_162, %sub3A : i32
          %dma_wait3A_486 = arith.constant 4 : i32
          %dma_wait3A_487 = arith.constant 0 : i32
          %dma_wait3A_488 = arith.constant 0 : i32
          %dma_wait3A_489 = tpu.memref_slice %arg11[%dma_wait3A_486, %dma_wait3A_487, %dma_wait3A_488] : memref<8x125x128xbf16, #tpu.memory_space<vmem>> -> memref<1x125x128xbf16, #tpu.memory_space<vmem>>
          %dma_wait3A_490 = tpu.memref_squeeze %dma_wait3A_489 : memref<1x125x128xbf16, #tpu.memory_space<vmem>> -> memref<125x128xbf16, #tpu.memory_space<vmem>>
          %dma_wait3A_491 = arith.constant 0 : i32
          %dma_wait3A_492 = tpu.memref_slice %arg10[%sub3A_485, %dma_wait3A_491] : memref<80x125xi32, #tpu.memory_space<vmem>> -> memref<1x125xi32, #tpu.memory_space<vmem>>
          %dma_wait3A_493 = tpu.memref_squeeze %dma_wait3A_492 : memref<1x125xi32, #tpu.memory_space<vmem>> -> memref<125xi32, #tpu.memory_space<vmem>>
          %dma_wait3A_494 = arith.constant 0 : i32
          %dma_wait3A_495 = arith.constant 0 : i32
          %dma_wait3A_496 = tpu.memref_slice %arg13[%dma_wait3A_494, %dma_wait3A_495] : memref<10112x128xbf16, #tpu.memory_space<vmem_shared>> -> memref<10112x128xbf16, #tpu.memory_space<vmem_shared>>
          tpu.wait_indirect_dma semaphore(%arg27 : memref<!tpu.dma_semaphore, #tpu.memory_space<semaphore_mem>>) src(%dma_wait3A_490 : memref<125x128xbf16, #tpu.memory_space<vmem>>) dst(%dma_wait3A_496 : memref<10112x128xbf16, #tpu.memory_space<vmem_shared>>)
        } else {
        }
        %add3A_472 = arith.constant 4 : i32
        %add3A_473 = arith.addi %add3A_162, %add3A_472 : i32
        %dma_start3A_474 = arith.constant 4 : i32
        %dma_start3A_475 = arith.constant 0 : i32
        %dma_start3A_476 = arith.constant 0 : i32
        %dma_start3A_477 = tpu.memref_slice %arg11[%dma_start3A_474, %dma_start3A_475, %dma_start3A_476] : memref<8x125x128xbf16, #tpu.memory_space<vmem>> -> memref<1x125x128xbf16, #tpu.memory_space<vmem>>
        %dma_start3A_478 = tpu.memref_squeeze %dma_start3A_477 : memref<1x125x128xbf16, #tpu.memory_space<vmem>> -> memref<125x128xbf16, #tpu.memory_space<vmem>>
        %dma_start3A_479 = arith.constant 0 : i32
        %dma_start3A_480 = tpu.memref_slice %arg9[%add3A_473, %dma_start3A_479] : memref<80x125xi32, #tpu.memory_space<vmem>> -> memref<1x125xi32, #tpu.memory_space<vmem>>
        %dma_start3A_481 = tpu.memref_squeeze %dma_start3A_480 : memref<1x125xi32, #tpu.memory_space<vmem>> -> memref<125xi32, #tpu.memory_space<vmem>>
        %dma_start3A_482 = arith.constant 0 : i32
        %dma_start3A_483 = arith.constant 0 : i32
        %dma_start3A_484 = tpu.memref_slice %arg2[%dma_start3A_482, %dma_start3A_483] : memref<10000x128xbf16, #tpu.memory_space<hbm>> -> memref<10000x128xbf16, #tpu.memory_space<hbm>>
        tpu.enqueue_indirect_dma source(%dma_start3A_484 : memref<10000x128xbf16, #tpu.memory_space<hbm>>) target(%dma_start3A_478 : memref<125x128xbf16, #tpu.memory_space<vmem>>) offsets(%dma_start3A_481 : memref<125xi32, #tpu.memory_space<vmem>>) semaphore(%arg19 : memref<!tpu.dma_semaphore, #tpu.memory_space<semaphore_mem>>)
      } else {
      }
      %mul3A_195 = arith.constant 8 : i32
      %mul3A_196 = arith.muli %mul3A_195, %scan3A_158 : i32
      %add3A_197 = arith.constant 1 : i32
      %add3A_198 = arith.addi %mul3A_196, %add3A_197 : i32
      %dma_wait3A_199 = arith.constant 1 : i32
      %dma_wait3A_200 = arith.constant 0 : i32
      %dma_wait3A_201 = arith.constant 0 : i32
      %dma_wait3A_202 = tpu.memref_slice %arg11[%dma_wait3A_199, %dma_wait3A_200, %dma_wait3A_201] : memref<8x125x128xbf16, #tpu.memory_space<vmem>> -> memref<1x125x128xbf16, #tpu.memory_space<vmem>>
      %dma_wait3A_203 = tpu.memref_squeeze %dma_wait3A_202 : memref<1x125x128xbf16, #tpu.memory_space<vmem>> -> memref<125x128xbf16, #tpu.memory_space<vmem>>
      %dma_wait3A_204 = arith.constant 0 : i32
      %dma_wait3A_205 = tpu.memref_slice %arg9[%add3A_198, %dma_wait3A_204] : memref<80x125xi32, #tpu.memory_space<vmem>> -> memref<1x125xi32, #tpu.memory_space<vmem>>
      %dma_wait3A_206 = tpu.memref_squeeze %dma_wait3A_205 : memref<1x125xi32, #tpu.memory_space<vmem>> -> memref<125xi32, #tpu.memory_space<vmem>>
      %dma_wait3A_207 = arith.constant 0 : i32
      %dma_wait3A_208 = arith.constant 0 : i32
      %dma_wait3A_209 = tpu.memref_slice %arg2[%dma_wait3A_207, %dma_wait3A_208] : memref<10000x128xbf16, #tpu.memory_space<hbm>> -> memref<10000x128xbf16, #tpu.memory_space<hbm>>
      tpu.wait_indirect_dma semaphore(%arg16 : memref<!tpu.dma_semaphore, #tpu.memory_space<semaphore_mem>>) src(%dma_wait3A_209 : memref<10000x128xbf16, #tpu.memory_space<hbm>>) dst(%dma_wait3A_203 : memref<125x128xbf16, #tpu.memory_space<vmem>>)
      %dma_start3A_210 = arith.constant 1 : i32
      %dma_start3A_211 = arith.constant 0 : i32
      %dma_start3A_212 = arith.constant 0 : i32
      %dma_start3A_213 = tpu.memref_slice %arg11[%dma_start3A_210, %dma_start3A_211, %dma_start3A_212] : memref<8x125x128xbf16, #tpu.memory_space<vmem>> -> memref<1x125x128xbf16, #tpu.memory_space<vmem>>
      %dma_start3A_214 = tpu.memref_squeeze %dma_start3A_213 : memref<1x125x128xbf16, #tpu.memory_space<vmem>> -> memref<125x128xbf16, #tpu.memory_space<vmem>>
      %dma_start3A_215 = arith.constant 0 : i32
      %dma_start3A_216 = tpu.memref_slice %arg10[%add3A_198, %dma_start3A_215] : memref<80x125xi32, #tpu.memory_space<vmem>> -> memref<1x125xi32, #tpu.memory_space<vmem>>
      %dma_start3A_217 = tpu.memref_squeeze %dma_start3A_216 : memref<1x125xi32, #tpu.memory_space<vmem>> -> memref<125xi32, #tpu.memory_space<vmem>>
      %dma_start3A_218 = arith.constant 0 : i32
      %dma_start3A_219 = arith.constant 0 : i32
      %dma_start3A_220 = tpu.memref_slice %arg13[%dma_start3A_218, %dma_start3A_219] : memref<10112x128xbf16, #tpu.memory_space<vmem_shared>> -> memref<10112x128xbf16, #tpu.memory_space<vmem_shared>>
      tpu.enqueue_indirect_dma source(%dma_start3A_214 : memref<125x128xbf16, #tpu.memory_space<vmem>>) target(%dma_start3A_220 : memref<10112x128xbf16, #tpu.memory_space<vmem_shared>>) offsets(%dma_start3A_217 : memref<125xi32, #tpu.memory_space<vmem>>) semaphore(%arg24 : memref<!tpu.dma_semaphore, #tpu.memory_space<semaphore_mem>>) {add = true}
      %dma_start3A_221 = arith.constant 0 : i32
      %dma_start3A_222 = tpu.memref_slice %arg10[%add3A_198, %dma_start3A_221] : memref<80x125xi32, #tpu.memory_space<vmem>> -> memref<1x125xi32, #tpu.memory_space<vmem>>
      %dma_start3A_223 = tpu.memref_squeeze %dma_start3A_222 : memref<1x125xi32, #tpu.memory_space<vmem>> -> memref<125xi32, #tpu.memory_space<vmem>>
      %dma_start3A_224 = arith.constant 0 : i32
      %dma_start3A_225 = arith.constant 0 : i32
      %dma_start3A_226 = tpu.memref_slice %arg14[%dma_start3A_224, %dma_start3A_225] : memref<10112x16xbf16, #tpu.memory_space<vmem_shared>> -> memref<10112x16xbf16, #tpu.memory_space<vmem_shared>>
      tpu.enqueue_indirect_dma source(%arg12 : memref<125x16xbf16, #tpu.memory_space<vmem>>) target(%dma_start3A_226 : memref<10112x16xbf16, #tpu.memory_space<vmem_shared>>) offsets(%dma_start3A_223 : memref<125xi32, #tpu.memory_space<vmem>>) semaphore(%arg31 : memref<!tpu.dma_semaphore, #tpu.memory_space<semaphore_mem>>) {add = true}
      %add3A_227 = arith.constant 4 : i32
      %add3A_228 = arith.addi %add3A_198, %add3A_227 : i32
      %lt3A_229 = arith.constant 80 : i32
      %lt3A_230 = arith.cmpi slt, %add3A_228, %lt3A_229 : i32
      %convert_element_type3A_231 = arith.extui %lt3A_230 : i1 to i32
      %cond3A_232 = arith.constant 0 : i32
      %cond3A_233 = arith.cmpi ne, %convert_element_type3A_231, %cond3A_232 : i32
      scf.if %cond3A_233 {
        %ge3A = arith.constant 4 : i32
        %ge3A_468 = arith.cmpi sge, %add3A_198, %ge3A : i32
        %convert_element_type3A_469 = arith.extui %ge3A_468 : i1 to i32
        %cond3A_470 = arith.constant 0 : i32
        %cond3A_471 = arith.cmpi ne, %convert_element_type3A_469, %cond3A_470 : i32
        scf.if %cond3A_471 {
          %sub3A = arith.constant 4 : i32
          %sub3A_485 = arith.subi %add3A_198, %sub3A : i32
          %dma_wait3A_486 = arith.constant 5 : i32
          %dma_wait3A_487 = arith.constant 0 : i32
          %dma_wait3A_488 = arith.constant 0 : i32
          %dma_wait3A_489 = tpu.memref_slice %arg11[%dma_wait3A_486, %dma_wait3A_487, %dma_wait3A_488] : memref<8x125x128xbf16, #tpu.memory_space<vmem>> -> memref<1x125x128xbf16, #tpu.memory_space<vmem>>
          %dma_wait3A_490 = tpu.memref_squeeze %dma_wait3A_489 : memref<1x125x128xbf16, #tpu.memory_space<vmem>> -> memref<125x128xbf16, #tpu.memory_space<vmem>>
          %dma_wait3A_491 = arith.constant 0 : i32
          %dma_wait3A_492 = tpu.memref_slice %arg10[%sub3A_485, %dma_wait3A_491] : memref<80x125xi32, #tpu.memory_space<vmem>> -> memref<1x125xi32, #tpu.memory_space<vmem>>
          %dma_wait3A_493 = tpu.memref_squeeze %dma_wait3A_492 : memref<1x125xi32, #tpu.memory_space<vmem>> -> memref<125xi32, #tpu.memory_space<vmem>>
          %dma_wait3A_494 = arith.constant 0 : i32
          %dma_wait3A_495 = arith.constant 0 : i32
          %dma_wait3A_496 = tpu.memref_slice %arg13[%dma_wait3A_494, %dma_wait3A_495] : memref<10112x128xbf16, #tpu.memory_space<vmem_shared>> -> memref<10112x128xbf16, #tpu.memory_space<vmem_shared>>
          tpu.wait_indirect_dma semaphore(%arg28 : memref<!tpu.dma_semaphore, #tpu.memory_space<semaphore_mem>>) src(%dma_wait3A_490 : memref<125x128xbf16, #tpu.memory_space<vmem>>) dst(%dma_wait3A_496 : memref<10112x128xbf16, #tpu.memory_space<vmem_shared>>)
        } else {
        }
        %add3A_472 = arith.constant 4 : i32
        %add3A_473 = arith.addi %add3A_198, %add3A_472 : i32
        %dma_start3A_474 = arith.constant 5 : i32
        %dma_start3A_475 = arith.constant 0 : i32
        %dma_start3A_476 = arith.constant 0 : i32
        %dma_start3A_477 = tpu.memref_slice %arg11[%dma_start3A_474, %dma_start3A_475, %dma_start3A_476] : memref<8x125x128xbf16, #tpu.memory_space<vmem>> -> memref<1x125x128xbf16, #tpu.memory_space<vmem>>
        %dma_start3A_478 = tpu.memref_squeeze %dma_start3A_477 : memref<1x125x128xbf16, #tpu.memory_space<vmem>> -> memref<125x128xbf16, #tpu.memory_space<vmem>>
        %dma_start3A_479 = arith.constant 0 : i32
        %dma_start3A_480 = tpu.memref_slice %arg9[%add3A_473, %dma_start3A_479] : memref<80x125xi32, #tpu.memory_space<vmem>> -> memref<1x125xi32, #tpu.memory_space<vmem>>
        %dma_start3A_481 = tpu.memref_squeeze %dma_start3A_480 : memref<1x125xi32, #tpu.memory_space<vmem>> -> memref<125xi32, #tpu.memory_space<vmem>>
        %dma_start3A_482 = arith.constant 0 : i32
        %dma_start3A_483 = arith.constant 0 : i32
        %dma_start3A_484 = tpu.memref_slice %arg2[%dma_start3A_482, %dma_start3A_483] : memref<10000x128xbf16, #tpu.memory_space<hbm>> -> memref<10000x128xbf16, #tpu.memory_space<hbm>>
        tpu.enqueue_indirect_dma source(%dma_start3A_484 : memref<10000x128xbf16, #tpu.memory_space<hbm>>) target(%dma_start3A_478 : memref<125x128xbf16, #tpu.memory_space<vmem>>) offsets(%dma_start3A_481 : memref<125xi32, #tpu.memory_space<vmem>>) semaphore(%arg20 : memref<!tpu.dma_semaphore, #tpu.memory_space<semaphore_mem>>)
      } else {
      }
      %mul3A_234 = arith.constant 8 : i32
      %mul3A_235 = arith.muli %mul3A_234, %scan3A_158 : i32
      %add3A_236 = arith.constant 2 : i32
      %add3A_237 = arith.addi %mul3A_235, %add3A_236 : i32
      %dma_wait3A_238 = arith.constant 2 : i32
      %dma_wait3A_239 = arith.constant 0 : i32
      %dma_wait3A_240 = arith.constant 0 : i32
      %dma_wait3A_241 = tpu.memref_slice %arg11[%dma_wait3A_238, %dma_wait3A_239, %dma_wait3A_240] : memref<8x125x128xbf16, #tpu.memory_space<vmem>> -> memref<1x125x128xbf16, #tpu.memory_space<vmem>>
      %dma_wait3A_242 = tpu.memref_squeeze %dma_wait3A_241 : memref<1x125x128xbf16, #tpu.memory_space<vmem>> -> memref<125x128xbf16, #tpu.memory_space<vmem>>
      %dma_wait3A_243 = arith.constant 0 : i32
      %dma_wait3A_244 = tpu.memref_slice %arg9[%add3A_237, %dma_wait3A_243] : memref<80x125xi32, #tpu.memory_space<vmem>> -> memref<1x125xi32, #tpu.memory_space<vmem>>
      %dma_wait3A_245 = tpu.memref_squeeze %dma_wait3A_244 : memref<1x125xi32, #tpu.memory_space<vmem>> -> memref<125xi32, #tpu.memory_space<vmem>>
      %dma_wait3A_246 = arith.constant 0 : i32
      %dma_wait3A_247 = arith.constant 0 : i32
      %dma_wait3A_248 = tpu.memref_slice %arg2[%dma_wait3A_246, %dma_wait3A_247] : memref<10000x128xbf16, #tpu.memory_space<hbm>> -> memref<10000x128xbf16, #tpu.memory_space<hbm>>
      tpu.wait_indirect_dma semaphore(%arg17 : memref<!tpu.dma_semaphore, #tpu.memory_space<semaphore_mem>>) src(%dma_wait3A_248 : memref<10000x128xbf16, #tpu.memory_space<hbm>>) dst(%dma_wait3A_242 : memref<125x128xbf16, #tpu.memory_space<vmem>>)
      %dma_start3A_249 = arith.constant 2 : i32
      %dma_start3A_250 = arith.constant 0 : i32
      %dma_start3A_251 = arith.constant 0 : i32
      %dma_start3A_252 = tpu.memref_slice %arg11[%dma_start3A_249, %dma_start3A_250, %dma_start3A_251] : memref<8x125x128xbf16, #tpu.memory_space<vmem>> -> memref<1x125x128xbf16, #tpu.memory_space<vmem>>
      %dma_start3A_253 = tpu.memref_squeeze %dma_start3A_252 : memref<1x125x128xbf16, #tpu.memory_space<vmem>> -> memref<125x128xbf16, #tpu.memory_space<vmem>>
      %dma_start3A_254 = arith.constant 0 : i32
      %dma_start3A_255 = tpu.memref_slice %arg10[%add3A_237, %dma_start3A_254] : memref<80x125xi32, #tpu.memory_space<vmem>> -> memref<1x125xi32, #tpu.memory_space<vmem>>
      %dma_start3A_256 = tpu.memref_squeeze %dma_start3A_255 : memref<1x125xi32, #tpu.memory_space<vmem>> -> memref<125xi32, #tpu.memory_space<vmem>>
      %dma_start3A_257 = arith.constant 0 : i32
      %dma_start3A_258 = arith.constant 0 : i32
      %dma_start3A_259 = tpu.memref_slice %arg13[%dma_start3A_257, %dma_start3A_258] : memref<10112x128xbf16, #tpu.memory_space<vmem_shared>> -> memref<10112x128xbf16, #tpu.memory_space<vmem_shared>>
      tpu.enqueue_indirect_dma source(%dma_start3A_253 : memref<125x128xbf16, #tpu.memory_space<vmem>>) target(%dma_start3A_259 : memref<10112x128xbf16, #tpu.memory_space<vmem_shared>>) offsets(%dma_start3A_256 : memref<125xi32, #tpu.memory_space<vmem>>) semaphore(%arg25 : memref<!tpu.dma_semaphore, #tpu.memory_space<semaphore_mem>>) {add = true}
      %dma_start3A_260 = arith.constant 0 : i32
      %dma_start3A_261 = tpu.memref_slice %arg10[%add3A_237, %dma_start3A_260] : memref<80x125xi32, #tpu.memory_space<vmem>> -> memref<1x125xi32, #tpu.memory_space<vmem>>
      %dma_start3A_262 = tpu.memref_squeeze %dma_start3A_261 : memref<1x125xi32, #tpu.memory_space<vmem>> -> memref<125xi32, #tpu.memory_space<vmem>>
      %dma_start3A_263 = arith.constant 0 : i32
      %dma_start3A_264 = arith.constant 0 : i32
      %dma_start3A_265 = tpu.memref_slice %arg14[%dma_start3A_263, %dma_start3A_264] : memref<10112x16xbf16, #tpu.memory_space<vmem_shared>> -> memref<10112x16xbf16, #tpu.memory_space<vmem_shared>>
      tpu.enqueue_indirect_dma source(%arg12 : memref<125x16xbf16, #tpu.memory_space<vmem>>) target(%dma_start3A_265 : memref<10112x16xbf16, #tpu.memory_space<vmem_shared>>) offsets(%dma_start3A_262 : memref<125xi32, #tpu.memory_space<vmem>>) semaphore(%arg31 : memref<!tpu.dma_semaphore, #tpu.memory_space<semaphore_mem>>) {add = true}
      %add3A_266 = arith.constant 4 : i32
      %add3A_267 = arith.addi %add3A_237, %add3A_266 : i32
      %lt3A_268 = arith.constant 80 : i32
      %lt3A_269 = arith.cmpi slt, %add3A_267, %lt3A_268 : i32
      %convert_element_type3A_270 = arith.extui %lt3A_269 : i1 to i32
      %cond3A_271 = arith.constant 0 : i32
      %cond3A_272 = arith.cmpi ne, %convert_element_type3A_270, %cond3A_271 : i32
      scf.if %cond3A_272 {
        %ge3A = arith.constant 4 : i32
        %ge3A_468 = arith.cmpi sge, %add3A_237, %ge3A : i32
        %convert_element_type3A_469 = arith.extui %ge3A_468 : i1 to i32
        %cond3A_470 = arith.constant 0 : i32
        %cond3A_471 = arith.cmpi ne, %convert_element_type3A_469, %cond3A_470 : i32
        scf.if %cond3A_471 {
          %sub3A = arith.constant 4 : i32
          %sub3A_485 = arith.subi %add3A_237, %sub3A : i32
          %dma_wait3A_486 = arith.constant 6 : i32
          %dma_wait3A_487 = arith.constant 0 : i32
          %dma_wait3A_488 = arith.constant 0 : i32
          %dma_wait3A_489 = tpu.memref_slice %arg11[%dma_wait3A_486, %dma_wait3A_487, %dma_wait3A_488] : memref<8x125x128xbf16, #tpu.memory_space<vmem>> -> memref<1x125x128xbf16, #tpu.memory_space<vmem>>
          %dma_wait3A_490 = tpu.memref_squeeze %dma_wait3A_489 : memref<1x125x128xbf16, #tpu.memory_space<vmem>> -> memref<125x128xbf16, #tpu.memory_space<vmem>>
          %dma_wait3A_491 = arith.constant 0 : i32
          %dma_wait3A_492 = tpu.memref_slice %arg10[%sub3A_485, %dma_wait3A_491] : memref<80x125xi32, #tpu.memory_space<vmem>> -> memref<1x125xi32, #tpu.memory_space<vmem>>
          %dma_wait3A_493 = tpu.memref_squeeze %dma_wait3A_492 : memref<1x125xi32, #tpu.memory_space<vmem>> -> memref<125xi32, #tpu.memory_space<vmem>>
          %dma_wait3A_494 = arith.constant 0 : i32
          %dma_wait3A_495 = arith.constant 0 : i32
          %dma_wait3A_496 = tpu.memref_slice %arg13[%dma_wait3A_494, %dma_wait3A_495] : memref<10112x128xbf16, #tpu.memory_space<vmem_shared>> -> memref<10112x128xbf16, #tpu.memory_space<vmem_shared>>
          tpu.wait_indirect_dma semaphore(%arg29 : memref<!tpu.dma_semaphore, #tpu.memory_space<semaphore_mem>>) src(%dma_wait3A_490 : memref<125x128xbf16, #tpu.memory_space<vmem>>) dst(%dma_wait3A_496 : memref<10112x128xbf16, #tpu.memory_space<vmem_shared>>)
        } else {
        }
        %add3A_472 = arith.constant 4 : i32
        %add3A_473 = arith.addi %add3A_237, %add3A_472 : i32
        %dma_start3A_474 = arith.constant 6 : i32
        %dma_start3A_475 = arith.constant 0 : i32
        %dma_start3A_476 = arith.constant 0 : i32
        %dma_start3A_477 = tpu.memref_slice %arg11[%dma_start3A_474, %dma_start3A_475, %dma_start3A_476] : memref<8x125x128xbf16, #tpu.memory_space<vmem>> -> memref<1x125x128xbf16, #tpu.memory_space<vmem>>
        %dma_start3A_478 = tpu.memref_squeeze %dma_start3A_477 : memref<1x125x128xbf16, #tpu.memory_space<vmem>> -> memref<125x128xbf16, #tpu.memory_space<vmem>>
        %dma_start3A_479 = arith.constant 0 : i32
        %dma_start3A_480 = tpu.memref_slice %arg9[%add3A_473, %dma_start3A_479] : memref<80x125xi32, #tpu.memory_space<vmem>> -> memref<1x125xi32, #tpu.memory_space<vmem>>
        %dma_start3A_481 = tpu.memref_squeeze %dma_start3A_480 : memref<1x125xi32, #tpu.memory_space<vmem>> -> memref<125xi32, #tpu.memory_space<vmem>>
        %dma_start3A_482 = arith.constant 0 : i32
        %dma_start3A_483 = arith.constant 0 : i32
        %dma_start3A_484 = tpu.memref_slice %arg2[%dma_start3A_482, %dma_start3A_483] : memref<10000x128xbf16, #tpu.memory_space<hbm>> -> memref<10000x128xbf16, #tpu.memory_space<hbm>>
        tpu.enqueue_indirect_dma source(%dma_start3A_484 : memref<10000x128xbf16, #tpu.memory_space<hbm>>) target(%dma_start3A_478 : memref<125x128xbf16, #tpu.memory_space<vmem>>) offsets(%dma_start3A_481 : memref<125xi32, #tpu.memory_space<vmem>>) semaphore(%arg21 : memref<!tpu.dma_semaphore, #tpu.memory_space<semaphore_mem>>)
      } else {
      }
      %mul3A_273 = arith.constant 8 : i32
      %mul3A_274 = arith.muli %mul3A_273, %scan3A_158 : i32
      %add3A_275 = arith.constant 3 : i32
      %add3A_276 = arith.addi %mul3A_274, %add3A_275 : i32
      %dma_wait3A_277 = arith.constant 3 : i32
      %dma_wait3A_278 = arith.constant 0 : i32
      %dma_wait3A_279 = arith.constant 0 : i32
      %dma_wait3A_280 = tpu.memref_slice %arg11[%dma_wait3A_277, %dma_wait3A_278, %dma_wait3A_279] : memref<8x125x128xbf16, #tpu.memory_space<vmem>> -> memref<1x125x128xbf16, #tpu.memory_space<vmem>>
      %dma_wait3A_281 = tpu.memref_squeeze %dma_wait3A_280 : memref<1x125x128xbf16, #tpu.memory_space<vmem>> -> memref<125x128xbf16, #tpu.memory_space<vmem>>
      %dma_wait3A_282 = arith.constant 0 : i32
      %dma_wait3A_283 = tpu.memref_slice %arg9[%add3A_276, %dma_wait3A_282] : memref<80x125xi32, #tpu.memory_space<vmem>> -> memref<1x125xi32, #tpu.memory_space<vmem>>
      %dma_wait3A_284 = tpu.memref_squeeze %dma_wait3A_283 : memref<1x125xi32, #tpu.memory_space<vmem>> -> memref<125xi32, #tpu.memory_space<vmem>>
      %dma_wait3A_285 = arith.constant 0 : i32
      %dma_wait3A_286 = arith.constant 0 : i32
      %dma_wait3A_287 = tpu.memref_slice %arg2[%dma_wait3A_285, %dma_wait3A_286] : memref<10000x128xbf16, #tpu.memory_space<hbm>> -> memref<10000x128xbf16, #tpu.memory_space<hbm>>
      tpu.wait_indirect_dma semaphore(%arg18 : memref<!tpu.dma_semaphore, #tpu.memory_space<semaphore_mem>>) src(%dma_wait3A_287 : memref<10000x128xbf16, #tpu.memory_space<hbm>>) dst(%dma_wait3A_281 : memref<125x128xbf16, #tpu.memory_space<vmem>>)
      %dma_start3A_288 = arith.constant 3 : i32
      %dma_start3A_289 = arith.constant 0 : i32
      %dma_start3A_290 = arith.constant 0 : i32
      %dma_start3A_291 = tpu.memref_slice %arg11[%dma_start3A_288, %dma_start3A_289, %dma_start3A_290] : memref<8x125x128xbf16, #tpu.memory_space<vmem>> -> memref<1x125x128xbf16, #tpu.memory_space<vmem>>
      %dma_start3A_292 = tpu.memref_squeeze %dma_start3A_291 : memref<1x125x128xbf16, #tpu.memory_space<vmem>> -> memref<125x128xbf16, #tpu.memory_space<vmem>>
      %dma_start3A_293 = arith.constant 0 : i32
      %dma_start3A_294 = tpu.memref_slice %arg10[%add3A_276, %dma_start3A_293] : memref<80x125xi32, #tpu.memory_space<vmem>> -> memref<1x125xi32, #tpu.memory_space<vmem>>
      %dma_start3A_295 = tpu.memref_squeeze %dma_start3A_294 : memref<1x125xi32, #tpu.memory_space<vmem>> -> memref<125xi32, #tpu.memory_space<vmem>>
      %dma_start3A_296 = arith.constant 0 : i32
      %dma_start3A_297 = arith.constant 0 : i32
      %dma_start3A_298 = tpu.memref_slice %arg13[%dma_start3A_296, %dma_start3A_297] : memref<10112x128xbf16, #tpu.memory_space<vmem_shared>> -> memref<10112x128xbf16, #tpu.memory_space<vmem_shared>>
      tpu.enqueue_indirect_dma source(%dma_start3A_292 : memref<125x128xbf16, #tpu.memory_space<vmem>>) target(%dma_start3A_298 : memref<10112x128xbf16, #tpu.memory_space<vmem_shared>>) offsets(%dma_start3A_295 : memref<125xi32, #tpu.memory_space<vmem>>) semaphore(%arg26 : memref<!tpu.dma_semaphore, #tpu.memory_space<semaphore_mem>>) {add = true}
      %dma_start3A_299 = arith.constant 0 : i32
      %dma_start3A_300 = tpu.memref_slice %arg10[%add3A_276, %dma_start3A_299] : memref<80x125xi32, #tpu.memory_space<vmem>> -> memref<1x125xi32, #tpu.memory_space<vmem>>
      %dma_start3A_301 = tpu.memref_squeeze %dma_start3A_300 : memref<1x125xi32, #tpu.memory_space<vmem>> -> memref<125xi32, #tpu.memory_space<vmem>>
      %dma_start3A_302 = arith.constant 0 : i32
      %dma_start3A_303 = arith.constant 0 : i32
      %dma_start3A_304 = tpu.memref_slice %arg14[%dma_start3A_302, %dma_start3A_303] : memref<10112x16xbf16, #tpu.memory_space<vmem_shared>> -> memref<10112x16xbf16, #tpu.memory_space<vmem_shared>>
      tpu.enqueue_indirect_dma source(%arg12 : memref<125x16xbf16, #tpu.memory_space<vmem>>) target(%dma_start3A_304 : memref<10112x16xbf16, #tpu.memory_space<vmem_shared>>) offsets(%dma_start3A_301 : memref<125xi32, #tpu.memory_space<vmem>>) semaphore(%arg31 : memref<!tpu.dma_semaphore, #tpu.memory_space<semaphore_mem>>) {add = true}
      %add3A_305 = arith.constant 4 : i32
      %add3A_306 = arith.addi %add3A_276, %add3A_305 : i32
      %lt3A_307 = arith.constant 80 : i32
      %lt3A_308 = arith.cmpi slt, %add3A_306, %lt3A_307 : i32
      %convert_element_type3A_309 = arith.extui %lt3A_308 : i1 to i32
      %cond3A_310 = arith.constant 0 : i32
      %cond3A_311 = arith.cmpi ne, %convert_element_type3A_309, %cond3A_310 : i32
      scf.if %cond3A_311 {
        %ge3A = arith.constant 4 : i32
        %ge3A_468 = arith.cmpi sge, %add3A_276, %ge3A : i32
        %convert_element_type3A_469 = arith.extui %ge3A_468 : i1 to i32
        %cond3A_470 = arith.constant 0 : i32
        %cond3A_471 = arith.cmpi ne, %convert_element_type3A_469, %cond3A_470 : i32
        scf.if %cond3A_471 {
          %sub3A = arith.constant 4 : i32
          %sub3A_485 = arith.subi %add3A_276, %sub3A : i32
          %dma_wait3A_486 = arith.constant 7 : i32
          %dma_wait3A_487 = arith.constant 0 : i32
          %dma_wait3A_488 = arith.constant 0 : i32
          %dma_wait3A_489 = tpu.memref_slice %arg11[%dma_wait3A_486, %dma_wait3A_487, %dma_wait3A_488] : memref<8x125x128xbf16, #tpu.memory_space<vmem>> -> memref<1x125x128xbf16, #tpu.memory_space<vmem>>
          %dma_wait3A_490 = tpu.memref_squeeze %dma_wait3A_489 : memref<1x125x128xbf16, #tpu.memory_space<vmem>> -> memref<125x128xbf16, #tpu.memory_space<vmem>>
          %dma_wait3A_491 = arith.constant 0 : i32
          %dma_wait3A_492 = tpu.memref_slice %arg10[%sub3A_485, %dma_wait3A_491] : memref<80x125xi32, #tpu.memory_space<vmem>> -> memref<1x125xi32, #tpu.memory_space<vmem>>
          %dma_wait3A_493 = tpu.memref_squeeze %dma_wait3A_492 : memref<1x125xi32, #tpu.memory_space<vmem>> -> memref<125xi32, #tpu.memory_space<vmem>>
          %dma_wait3A_494 = arith.constant 0 : i32
          %dma_wait3A_495 = arith.constant 0 : i32
          %dma_wait3A_496 = tpu.memref_slice %arg13[%dma_wait3A_494, %dma_wait3A_495] : memref<10112x128xbf16, #tpu.memory_space<vmem_shared>> -> memref<10112x128xbf16, #tpu.memory_space<vmem_shared>>
          tpu.wait_indirect_dma semaphore(%arg30 : memref<!tpu.dma_semaphore, #tpu.memory_space<semaphore_mem>>) src(%dma_wait3A_490 : memref<125x128xbf16, #tpu.memory_space<vmem>>) dst(%dma_wait3A_496 : memref<10112x128xbf16, #tpu.memory_space<vmem_shared>>)
        } else {
        }
        %add3A_472 = arith.constant 4 : i32
        %add3A_473 = arith.addi %add3A_276, %add3A_472 : i32
        %dma_start3A_474 = arith.constant 7 : i32
        %dma_start3A_475 = arith.constant 0 : i32
        %dma_start3A_476 = arith.constant 0 : i32
        %dma_start3A_477 = tpu.memref_slice %arg11[%dma_start3A_474, %dma_start3A_475, %dma_start3A_476] : memref<8x125x128xbf16, #tpu.memory_space<vmem>> -> memref<1x125x128xbf16, #tpu.memory_space<vmem>>
        %dma_start3A_478 = tpu.memref_squeeze %dma_start3A_477 : memref<1x125x128xbf16, #tpu.memory_space<vmem>> -> memref<125x128xbf16, #tpu.memory_space<vmem>>
        %dma_start3A_479 = arith.constant 0 : i32
        %dma_start3A_480 = tpu.memref_slice %arg9[%add3A_473, %dma_start3A_479] : memref<80x125xi32, #tpu.memory_space<vmem>> -> memref<1x125xi32, #tpu.memory_space<vmem>>
        %dma_start3A_481 = tpu.memref_squeeze %dma_start3A_480 : memref<1x125xi32, #tpu.memory_space<vmem>> -> memref<125xi32, #tpu.memory_space<vmem>>
        %dma_start3A_482 = arith.constant 0 : i32
        %dma_start3A_483 = arith.constant 0 : i32
        %dma_start3A_484 = tpu.memref_slice %arg2[%dma_start3A_482, %dma_start3A_483] : memref<10000x128xbf16, #tpu.memory_space<hbm>> -> memref<10000x128xbf16, #tpu.memory_space<hbm>>
        tpu.enqueue_indirect_dma source(%dma_start3A_484 : memref<10000x128xbf16, #tpu.memory_space<hbm>>) target(%dma_start3A_478 : memref<125x128xbf16, #tpu.memory_space<vmem>>) offsets(%dma_start3A_481 : memref<125xi32, #tpu.memory_space<vmem>>) semaphore(%arg22 : memref<!tpu.dma_semaphore, #tpu.memory_space<semaphore_mem>>)
      } else {
      }
      %mul3A_312 = arith.constant 8 : i32
      %mul3A_313 = arith.muli %mul3A_312, %scan3A_158 : i32
      %add3A_314 = arith.constant 4 : i32
      %add3A_315 = arith.addi %mul3A_313, %add3A_314 : i32
      %dma_wait3A_316 = arith.constant 4 : i32
      %dma_wait3A_317 = arith.constant 0 : i32
      %dma_wait3A_318 = arith.constant 0 : i32
      %dma_wait3A_319 = tpu.memref_slice %arg11[%dma_wait3A_316, %dma_wait3A_317, %dma_wait3A_318] : memref<8x125x128xbf16, #tpu.memory_space<vmem>> -> memref<1x125x128xbf16, #tpu.memory_space<vmem>>
      %dma_wait3A_320 = tpu.memref_squeeze %dma_wait3A_319 : memref<1x125x128xbf16, #tpu.memory_space<vmem>> -> memref<125x128xbf16, #tpu.memory_space<vmem>>
      %dma_wait3A_321 = arith.constant 0 : i32
      %dma_wait3A_322 = tpu.memref_slice %arg9[%add3A_315, %dma_wait3A_321] : memref<80x125xi32, #tpu.memory_space<vmem>> -> memref<1x125xi32, #tpu.memory_space<vmem>>
      %dma_wait3A_323 = tpu.memref_squeeze %dma_wait3A_322 : memref<1x125xi32, #tpu.memory_space<vmem>> -> memref<125xi32, #tpu.memory_space<vmem>>
      %dma_wait3A_324 = arith.constant 0 : i32
      %dma_wait3A_325 = arith.constant 0 : i32
      %dma_wait3A_326 = tpu.memref_slice %arg2[%dma_wait3A_324, %dma_wait3A_325] : memref<10000x128xbf16, #tpu.memory_space<hbm>> -> memref<10000x128xbf16, #tpu.memory_space<hbm>>
      tpu.wait_indirect_dma semaphore(%arg19 : memref<!tpu.dma_semaphore, #tpu.memory_space<semaphore_mem>>) src(%dma_wait3A_326 : memref<10000x128xbf16, #tpu.memory_space<hbm>>) dst(%dma_wait3A_320 : memref<125x128xbf16, #tpu.memory_space<vmem>>)
      %dma_start3A_327 = arith.constant 4 : i32
      %dma_start3A_328 = arith.constant 0 : i32
      %dma_start3A_329 = arith.constant 0 : i32
      %dma_start3A_330 = tpu.memref_slice %arg11[%dma_start3A_327, %dma_start3A_328, %dma_start3A_329] : memref<8x125x128xbf16, #tpu.memory_space<vmem>> -> memref<1x125x128xbf16, #tpu.memory_space<vmem>>
      %dma_start3A_331 = tpu.memref_squeeze %dma_start3A_330 : memref<1x125x128xbf16, #tpu.memory_space<vmem>> -> memref<125x128xbf16, #tpu.memory_space<vmem>>
      %dma_start3A_332 = arith.constant 0 : i32
      %dma_start3A_333 = tpu.memref_slice %arg10[%add3A_315, %dma_start3A_332] : memref<80x125xi32, #tpu.memory_space<vmem>> -> memref<1x125xi32, #tpu.memory_space<vmem>>
      %dma_start3A_334 = tpu.memref_squeeze %dma_start3A_333 : memref<1x125xi32, #tpu.memory_space<vmem>> -> memref<125xi32, #tpu.memory_space<vmem>>
      %dma_start3A_335 = arith.constant 0 : i32
      %dma_start3A_336 = arith.constant 0 : i32
      %dma_start3A_337 = tpu.memref_slice %arg13[%dma_start3A_335, %dma_start3A_336] : memref<10112x128xbf16, #tpu.memory_space<vmem_shared>> -> memref<10112x128xbf16, #tpu.memory_space<vmem_shared>>
      tpu.enqueue_indirect_dma source(%dma_start3A_331 : memref<125x128xbf16, #tpu.memory_space<vmem>>) target(%dma_start3A_337 : memref<10112x128xbf16, #tpu.memory_space<vmem_shared>>) offsets(%dma_start3A_334 : memref<125xi32, #tpu.memory_space<vmem>>) semaphore(%arg27 : memref<!tpu.dma_semaphore, #tpu.memory_space<semaphore_mem>>) {add = true}
      %dma_start3A_338 = arith.constant 0 : i32
      %dma_start3A_339 = tpu.memref_slice %arg10[%add3A_315, %dma_start3A_338] : memref<80x125xi32, #tpu.memory_space<vmem>> -> memref<1x125xi32, #tpu.memory_space<vmem>>
      %dma_start3A_340 = tpu.memref_squeeze %dma_start3A_339 : memref<1x125xi32, #tpu.memory_space<vmem>> -> memref<125xi32, #tpu.memory_space<vmem>>
      %dma_start3A_341 = arith.constant 0 : i32
      %dma_start3A_342 = arith.constant 0 : i32
      %dma_start3A_343 = tpu.memref_slice %arg14[%dma_start3A_341, %dma_start3A_342] : memref<10112x16xbf16, #tpu.memory_space<vmem_shared>> -> memref<10112x16xbf16, #tpu.memory_space<vmem_shared>>
      tpu.enqueue_indirect_dma source(%arg12 : memref<125x16xbf16, #tpu.memory_space<vmem>>) target(%dma_start3A_343 : memref<10112x16xbf16, #tpu.memory_space<vmem_shared>>) offsets(%dma_start3A_340 : memref<125xi32, #tpu.memory_space<vmem>>) semaphore(%arg31 : memref<!tpu.dma_semaphore, #tpu.memory_space<semaphore_mem>>) {add = true}
      %add3A_344 = arith.constant 4 : i32
      %add3A_345 = arith.addi %add3A_315, %add3A_344 : i32
      %lt3A_346 = arith.constant 80 : i32
      %lt3A_347 = arith.cmpi slt, %add3A_345, %lt3A_346 : i32
      %convert_element_type3A_348 = arith.extui %lt3A_347 : i1 to i32
      %cond3A_349 = arith.constant 0 : i32
      %cond3A_350 = arith.cmpi ne, %convert_element_type3A_348, %cond3A_349 : i32
      scf.if %cond3A_350 {
        %ge3A = arith.constant 4 : i32
        %ge3A_468 = arith.cmpi sge, %add3A_315, %ge3A : i32
        %convert_element_type3A_469 = arith.extui %ge3A_468 : i1 to i32
        %cond3A_470 = arith.constant 0 : i32
        %cond3A_471 = arith.cmpi ne, %convert_element_type3A_469, %cond3A_470 : i32
        scf.if %cond3A_471 {
          %sub3A = arith.constant 4 : i32
          %sub3A_485 = arith.subi %add3A_315, %sub3A : i32
          %dma_wait3A_486 = arith.constant 0 : i32
          %dma_wait3A_487 = arith.constant 0 : i32
          %dma_wait3A_488 = arith.constant 0 : i32
          %dma_wait3A_489 = tpu.memref_slice %arg11[%dma_wait3A_486, %dma_wait3A_487, %dma_wait3A_488] : memref<8x125x128xbf16, #tpu.memory_space<vmem>> -> memref<1x125x128xbf16, #tpu.memory_space<vmem>>
          %dma_wait3A_490 = tpu.memref_squeeze %dma_wait3A_489 : memref<1x125x128xbf16, #tpu.memory_space<vmem>> -> memref<125x128xbf16, #tpu.memory_space<vmem>>
          %dma_wait3A_491 = arith.constant 0 : i32
          %dma_wait3A_492 = tpu.memref_slice %arg10[%sub3A_485, %dma_wait3A_491] : memref<80x125xi32, #tpu.memory_space<vmem>> -> memref<1x125xi32, #tpu.memory_space<vmem>>
          %dma_wait3A_493 = tpu.memref_squeeze %dma_wait3A_492 : memref<1x125xi32, #tpu.memory_space<vmem>> -> memref<125xi32, #tpu.memory_space<vmem>>
          %dma_wait3A_494 = arith.constant 0 : i32
          %dma_wait3A_495 = arith.constant 0 : i32
          %dma_wait3A_496 = tpu.memref_slice %arg13[%dma_wait3A_494, %dma_wait3A_495] : memref<10112x128xbf16, #tpu.memory_space<vmem_shared>> -> memref<10112x128xbf16, #tpu.memory_space<vmem_shared>>
          tpu.wait_indirect_dma semaphore(%arg23 : memref<!tpu.dma_semaphore, #tpu.memory_space<semaphore_mem>>) src(%dma_wait3A_490 : memref<125x128xbf16, #tpu.memory_space<vmem>>) dst(%dma_wait3A_496 : memref<10112x128xbf16, #tpu.memory_space<vmem_shared>>)
        } else {
        }
        %add3A_472 = arith.constant 4 : i32
        %add3A_473 = arith.addi %add3A_315, %add3A_472 : i32
        %dma_start3A_474 = arith.constant 0 : i32
        %dma_start3A_475 = arith.constant 0 : i32
        %dma_start3A_476 = arith.constant 0 : i32
        %dma_start3A_477 = tpu.memref_slice %arg11[%dma_start3A_474, %dma_start3A_475, %dma_start3A_476] : memref<8x125x128xbf16, #tpu.memory_space<vmem>> -> memref<1x125x128xbf16, #tpu.memory_space<vmem>>
        %dma_start3A_478 = tpu.memref_squeeze %dma_start3A_477 : memref<1x125x128xbf16, #tpu.memory_space<vmem>> -> memref<125x128xbf16, #tpu.memory_space<vmem>>
        %dma_start3A_479 = arith.constant 0 : i32
        %dma_start3A_480 = tpu.memref_slice %arg9[%add3A_473, %dma_start3A_479] : memref<80x125xi32, #tpu.memory_space<vmem>> -> memref<1x125xi32, #tpu.memory_space<vmem>>
        %dma_start3A_481 = tpu.memref_squeeze %dma_start3A_480 : memref<1x125xi32, #tpu.memory_space<vmem>> -> memref<125xi32, #tpu.memory_space<vmem>>
        %dma_start3A_482 = arith.constant 0 : i32
        %dma_start3A_483 = arith.constant 0 : i32
        %dma_start3A_484 = tpu.memref_slice %arg2[%dma_start3A_482, %dma_start3A_483] : memref<10000x128xbf16, #tpu.memory_space<hbm>> -> memref<10000x128xbf16, #tpu.memory_space<hbm>>
        tpu.enqueue_indirect_dma source(%dma_start3A_484 : memref<10000x128xbf16, #tpu.memory_space<hbm>>) target(%dma_start3A_478 : memref<125x128xbf16, #tpu.memory_space<vmem>>) offsets(%dma_start3A_481 : memref<125xi32, #tpu.memory_space<vmem>>) semaphore(%arg15 : memref<!tpu.dma_semaphore, #tpu.memory_space<semaphore_mem>>)
      } else {
      }
      %mul3A_351 = arith.constant 8 : i32
      %mul3A_352 = arith.muli %mul3A_351, %scan3A_158 : i32
      %add3A_353 = arith.constant 5 : i32
      %add3A_354 = arith.addi %mul3A_352, %add3A_353 : i32
      %dma_wait3A_355 = arith.constant 5 : i32
      %dma_wait3A_356 = arith.constant 0 : i32
      %dma_wait3A_357 = arith.constant 0 : i32
      %dma_wait3A_358 = tpu.memref_slice %arg11[%dma_wait3A_355, %dma_wait3A_356, %dma_wait3A_357] : memref<8x125x128xbf16, #tpu.memory_space<vmem>> -> memref<1x125x128xbf16, #tpu.memory_space<vmem>>
      %dma_wait3A_359 = tpu.memref_squeeze %dma_wait3A_358 : memref<1x125x128xbf16, #tpu.memory_space<vmem>> -> memref<125x128xbf16, #tpu.memory_space<vmem>>
      %dma_wait3A_360 = arith.constant 0 : i32
      %dma_wait3A_361 = tpu.memref_slice %arg9[%add3A_354, %dma_wait3A_360] : memref<80x125xi32, #tpu.memory_space<vmem>> -> memref<1x125xi32, #tpu.memory_space<vmem>>
      %dma_wait3A_362 = tpu.memref_squeeze %dma_wait3A_361 : memref<1x125xi32, #tpu.memory_space<vmem>> -> memref<125xi32, #tpu.memory_space<vmem>>
      %dma_wait3A_363 = arith.constant 0 : i32
      %dma_wait3A_364 = arith.constant 0 : i32
      %dma_wait3A_365 = tpu.memref_slice %arg2[%dma_wait3A_363, %dma_wait3A_364] : memref<10000x128xbf16, #tpu.memory_space<hbm>> -> memref<10000x128xbf16, #tpu.memory_space<hbm>>
      tpu.wait_indirect_dma semaphore(%arg20 : memref<!tpu.dma_semaphore, #tpu.memory_space<semaphore_mem>>) src(%dma_wait3A_365 : memref<10000x128xbf16, #tpu.memory_space<hbm>>) dst(%dma_wait3A_359 : memref<125x128xbf16, #tpu.memory_space<vmem>>)
      %dma_start3A_366 = arith.constant 5 : i32
      %dma_start3A_367 = arith.constant 0 : i32
      %dma_start3A_368 = arith.constant 0 : i32
      %dma_start3A_369 = tpu.memref_slice %arg11[%dma_start3A_366, %dma_start3A_367, %dma_start3A_368] : memref<8x125x128xbf16, #tpu.memory_space<vmem>> -> memref<1x125x128xbf16, #tpu.memory_space<vmem>>
      %dma_start3A_370 = tpu.memref_squeeze %dma_start3A_369 : memref<1x125x128xbf16, #tpu.memory_space<vmem>> -> memref<125x128xbf16, #tpu.memory_space<vmem>>
      %dma_start3A_371 = arith.constant 0 : i32
      %dma_start3A_372 = tpu.memref_slice %arg10[%add3A_354, %dma_start3A_371] : memref<80x125xi32, #tpu.memory_space<vmem>> -> memref<1x125xi32, #tpu.memory_space<vmem>>
      %dma_start3A_373 = tpu.memref_squeeze %dma_start3A_372 : memref<1x125xi32, #tpu.memory_space<vmem>> -> memref<125xi32, #tpu.memory_space<vmem>>
      %dma_start3A_374 = arith.constant 0 : i32
      %dma_start3A_375 = arith.constant 0 : i32
      %dma_start3A_376 = tpu.memref_slice %arg13[%dma_start3A_374, %dma_start3A_375] : memref<10112x128xbf16, #tpu.memory_space<vmem_shared>> -> memref<10112x128xbf16, #tpu.memory_space<vmem_shared>>
      tpu.enqueue_indirect_dma source(%dma_start3A_370 : memref<125x128xbf16, #tpu.memory_space<vmem>>) target(%dma_start3A_376 : memref<10112x128xbf16, #tpu.memory_space<vmem_shared>>) offsets(%dma_start3A_373 : memref<125xi32, #tpu.memory_space<vmem>>) semaphore(%arg28 : memref<!tpu.dma_semaphore, #tpu.memory_space<semaphore_mem>>) {add = true}
      %dma_start3A_377 = arith.constant 0 : i32
      %dma_start3A_378 = tpu.memref_slice %arg10[%add3A_354, %dma_start3A_377] : memref<80x125xi32, #tpu.memory_space<vmem>> -> memref<1x125xi32, #tpu.memory_space<vmem>>
      %dma_start3A_379 = tpu.memref_squeeze %dma_start3A_378 : memref<1x125xi32, #tpu.memory_space<vmem>> -> memref<125xi32, #tpu.memory_space<vmem>>
      %dma_start3A_380 = arith.constant 0 : i32
      %dma_start3A_381 = arith.constant 0 : i32
      %dma_start3A_382 = tpu.memref_slice %arg14[%dma_start3A_380, %dma_start3A_381] : memref<10112x16xbf16, #tpu.memory_space<vmem_shared>> -> memref<10112x16xbf16, #tpu.memory_space<vmem_shared>>
      tpu.enqueue_indirect_dma source(%arg12 : memref<125x16xbf16, #tpu.memory_space<vmem>>) target(%dma_start3A_382 : memref<10112x16xbf16, #tpu.memory_space<vmem_shared>>) offsets(%dma_start3A_379 : memref<125xi32, #tpu.memory_space<vmem>>) semaphore(%arg31 : memref<!tpu.dma_semaphore, #tpu.memory_space<semaphore_mem>>) {add = true}
      %add3A_383 = arith.constant 4 : i32
      %add3A_384 = arith.addi %add3A_354, %add3A_383 : i32
      %lt3A_385 = arith.constant 80 : i32
      %lt3A_386 = arith.cmpi slt, %add3A_384, %lt3A_385 : i32
      %convert_element_type3A_387 = arith.extui %lt3A_386 : i1 to i32
      %cond3A_388 = arith.constant 0 : i32
      %cond3A_389 = arith.cmpi ne, %convert_element_type3A_387, %cond3A_388 : i32
      scf.if %cond3A_389 {
        %ge3A = arith.constant 4 : i32
        %ge3A_468 = arith.cmpi sge, %add3A_354, %ge3A : i32
        %convert_element_type3A_469 = arith.extui %ge3A_468 : i1 to i32
        %cond3A_470 = arith.constant 0 : i32
        %cond3A_471 = arith.cmpi ne, %convert_element_type3A_469, %cond3A_470 : i32
        scf.if %cond3A_471 {
          %sub3A = arith.constant 4 : i32
          %sub3A_485 = arith.subi %add3A_354, %sub3A : i32
          %dma_wait3A_486 = arith.constant 1 : i32
          %dma_wait3A_487 = arith.constant 0 : i32
          %dma_wait3A_488 = arith.constant 0 : i32
          %dma_wait3A_489 = tpu.memref_slice %arg11[%dma_wait3A_486, %dma_wait3A_487, %dma_wait3A_488] : memref<8x125x128xbf16, #tpu.memory_space<vmem>> -> memref<1x125x128xbf16, #tpu.memory_space<vmem>>
          %dma_wait3A_490 = tpu.memref_squeeze %dma_wait3A_489 : memref<1x125x128xbf16, #tpu.memory_space<vmem>> -> memref<125x128xbf16, #tpu.memory_space<vmem>>
          %dma_wait3A_491 = arith.constant 0 : i32
          %dma_wait3A_492 = tpu.memref_slice %arg10[%sub3A_485, %dma_wait3A_491] : memref<80x125xi32, #tpu.memory_space<vmem>> -> memref<1x125xi32, #tpu.memory_space<vmem>>
          %dma_wait3A_493 = tpu.memref_squeeze %dma_wait3A_492 : memref<1x125xi32, #tpu.memory_space<vmem>> -> memref<125xi32, #tpu.memory_space<vmem>>
          %dma_wait3A_494 = arith.constant 0 : i32
          %dma_wait3A_495 = arith.constant 0 : i32
          %dma_wait3A_496 = tpu.memref_slice %arg13[%dma_wait3A_494, %dma_wait3A_495] : memref<10112x128xbf16, #tpu.memory_space<vmem_shared>> -> memref<10112x128xbf16, #tpu.memory_space<vmem_shared>>
          tpu.wait_indirect_dma semaphore(%arg24 : memref<!tpu.dma_semaphore, #tpu.memory_space<semaphore_mem>>) src(%dma_wait3A_490 : memref<125x128xbf16, #tpu.memory_space<vmem>>) dst(%dma_wait3A_496 : memref<10112x128xbf16, #tpu.memory_space<vmem_shared>>)
        } else {
        }
        %add3A_472 = arith.constant 4 : i32
        %add3A_473 = arith.addi %add3A_354, %add3A_472 : i32
        %dma_start3A_474 = arith.constant 1 : i32
        %dma_start3A_475 = arith.constant 0 : i32
        %dma_start3A_476 = arith.constant 0 : i32
        %dma_start3A_477 = tpu.memref_slice %arg11[%dma_start3A_474, %dma_start3A_475, %dma_start3A_476] : memref<8x125x128xbf16, #tpu.memory_space<vmem>> -> memref<1x125x128xbf16, #tpu.memory_space<vmem>>
        %dma_start3A_478 = tpu.memref_squeeze %dma_start3A_477 : memref<1x125x128xbf16, #tpu.memory_space<vmem>> -> memref<125x128xbf16, #tpu.memory_space<vmem>>
        %dma_start3A_479 = arith.constant 0 : i32
        %dma_start3A_480 = tpu.memref_slice %arg9[%add3A_473, %dma_start3A_479] : memref<80x125xi32, #tpu.memory_space<vmem>> -> memref<1x125xi32, #tpu.memory_space<vmem>>
        %dma_start3A_481 = tpu.memref_squeeze %dma_start3A_480 : memref<1x125xi32, #tpu.memory_space<vmem>> -> memref<125xi32, #tpu.memory_space<vmem>>
        %dma_start3A_482 = arith.constant 0 : i32
        %dma_start3A_483 = arith.constant 0 : i32
        %dma_start3A_484 = tpu.memref_slice %arg2[%dma_start3A_482, %dma_start3A_483] : memref<10000x128xbf16, #tpu.memory_space<hbm>> -> memref<10000x128xbf16, #tpu.memory_space<hbm>>
        tpu.enqueue_indirect_dma source(%dma_start3A_484 : memref<10000x128xbf16, #tpu.memory_space<hbm>>) target(%dma_start3A_478 : memref<125x128xbf16, #tpu.memory_space<vmem>>) offsets(%dma_start3A_481 : memref<125xi32, #tpu.memory_space<vmem>>) semaphore(%arg16 : memref<!tpu.dma_semaphore, #tpu.memory_space<semaphore_mem>>)
      } else {
      }
      %mul3A_390 = arith.constant 8 : i32
      %mul3A_391 = arith.muli %mul3A_390, %scan3A_158 : i32
      %add3A_392 = arith.constant 6 : i32
      %add3A_393 = arith.addi %mul3A_391, %add3A_392 : i32
      %dma_wait3A_394 = arith.constant 6 : i32
      %dma_wait3A_395 = arith.constant 0 : i32
      %dma_wait3A_396 = arith.constant 0 : i32
      %dma_wait3A_397 = tpu.memref_slice %arg11[%dma_wait3A_394, %dma_wait3A_395, %dma_wait3A_396] : memref<8x125x128xbf16, #tpu.memory_space<vmem>> -> memref<1x125x128xbf16, #tpu.memory_space<vmem>>
      %dma_wait3A_398 = tpu.memref_squeeze %dma_wait3A_397 : memref<1x125x128xbf16, #tpu.memory_space<vmem>> -> memref<125x128xbf16, #tpu.memory_space<vmem>>
      %dma_wait3A_399 = arith.constant 0 : i32
      %dma_wait3A_400 = tpu.memref_slice %arg9[%add3A_393, %dma_wait3A_399] : memref<80x125xi32, #tpu.memory_space<vmem>> -> memref<1x125xi32, #tpu.memory_space<vmem>>
      %dma_wait3A_401 = tpu.memref_squeeze %dma_wait3A_400 : memref<1x125xi32, #tpu.memory_space<vmem>> -> memref<125xi32, #tpu.memory_space<vmem>>
      %dma_wait3A_402 = arith.constant 0 : i32
      %dma_wait3A_403 = arith.constant 0 : i32
      %dma_wait3A_404 = tpu.memref_slice %arg2[%dma_wait3A_402, %dma_wait3A_403] : memref<10000x128xbf16, #tpu.memory_space<hbm>> -> memref<10000x128xbf16, #tpu.memory_space<hbm>>
      tpu.wait_indirect_dma semaphore(%arg21 : memref<!tpu.dma_semaphore, #tpu.memory_space<semaphore_mem>>) src(%dma_wait3A_404 : memref<10000x128xbf16, #tpu.memory_space<hbm>>) dst(%dma_wait3A_398 : memref<125x128xbf16, #tpu.memory_space<vmem>>)
      %dma_start3A_405 = arith.constant 6 : i32
      %dma_start3A_406 = arith.constant 0 : i32
      %dma_start3A_407 = arith.constant 0 : i32
      %dma_start3A_408 = tpu.memref_slice %arg11[%dma_start3A_405, %dma_start3A_406, %dma_start3A_407] : memref<8x125x128xbf16, #tpu.memory_space<vmem>> -> memref<1x125x128xbf16, #tpu.memory_space<vmem>>
      %dma_start3A_409 = tpu.memref_squeeze %dma_start3A_408 : memref<1x125x128xbf16, #tpu.memory_space<vmem>> -> memref<125x128xbf16, #tpu.memory_space<vmem>>
      %dma_start3A_410 = arith.constant 0 : i32
      %dma_start3A_411 = tpu.memref_slice %arg10[%add3A_393, %dma_start3A_410] : memref<80x125xi32, #tpu.memory_space<vmem>> -> memref<1x125xi32, #tpu.memory_space<vmem>>
      %dma_start3A_412 = tpu.memref_squeeze %dma_start3A_411 : memref<1x125xi32, #tpu.memory_space<vmem>> -> memref<125xi32, #tpu.memory_space<vmem>>
      %dma_start3A_413 = arith.constant 0 : i32
      %dma_start3A_414 = arith.constant 0 : i32
      %dma_start3A_415 = tpu.memref_slice %arg13[%dma_start3A_413, %dma_start3A_414] : memref<10112x128xbf16, #tpu.memory_space<vmem_shared>> -> memref<10112x128xbf16, #tpu.memory_space<vmem_shared>>
      tpu.enqueue_indirect_dma source(%dma_start3A_409 : memref<125x128xbf16, #tpu.memory_space<vmem>>) target(%dma_start3A_415 : memref<10112x128xbf16, #tpu.memory_space<vmem_shared>>) offsets(%dma_start3A_412 : memref<125xi32, #tpu.memory_space<vmem>>) semaphore(%arg29 : memref<!tpu.dma_semaphore, #tpu.memory_space<semaphore_mem>>) {add = true}
      %dma_start3A_416 = arith.constant 0 : i32
      %dma_start3A_417 = tpu.memref_slice %arg10[%add3A_393, %dma_start3A_416] : memref<80x125xi32, #tpu.memory_space<vmem>> -> memref<1x125xi32, #tpu.memory_space<vmem>>
      %dma_start3A_418 = tpu.memref_squeeze %dma_start3A_417 : memref<1x125xi32, #tpu.memory_space<vmem>> -> memref<125xi32, #tpu.memory_space<vmem>>
      %dma_start3A_419 = arith.constant 0 : i32
      %dma_start3A_420 = arith.constant 0 : i32
      %dma_start3A_421 = tpu.memref_slice %arg14[%dma_start3A_419, %dma_start3A_420] : memref<10112x16xbf16, #tpu.memory_space<vmem_shared>> -> memref<10112x16xbf16, #tpu.memory_space<vmem_shared>>
      tpu.enqueue_indirect_dma source(%arg12 : memref<125x16xbf16, #tpu.memory_space<vmem>>) target(%dma_start3A_421 : memref<10112x16xbf16, #tpu.memory_space<vmem_shared>>) offsets(%dma_start3A_418 : memref<125xi32, #tpu.memory_space<vmem>>) semaphore(%arg31 : memref<!tpu.dma_semaphore, #tpu.memory_space<semaphore_mem>>) {add = true}
      %add3A_422 = arith.constant 4 : i32
      %add3A_423 = arith.addi %add3A_393, %add3A_422 : i32
      %lt3A_424 = arith.constant 80 : i32
      %lt3A_425 = arith.cmpi slt, %add3A_423, %lt3A_424 : i32
      %convert_element_type3A_426 = arith.extui %lt3A_425 : i1 to i32
      %cond3A_427 = arith.constant 0 : i32
      %cond3A_428 = arith.cmpi ne, %convert_element_type3A_426, %cond3A_427 : i32
      scf.if %cond3A_428 {
        %ge3A = arith.constant 4 : i32
        %ge3A_468 = arith.cmpi sge, %add3A_393, %ge3A : i32
        %convert_element_type3A_469 = arith.extui %ge3A_468 : i1 to i32
        %cond3A_470 = arith.constant 0 : i32
        %cond3A_471 = arith.cmpi ne, %convert_element_type3A_469, %cond3A_470 : i32
        scf.if %cond3A_471 {
          %sub3A = arith.constant 4 : i32
          %sub3A_485 = arith.subi %add3A_393, %sub3A : i32
          %dma_wait3A_486 = arith.constant 2 : i32
          %dma_wait3A_487 = arith.constant 0 : i32
          %dma_wait3A_488 = arith.constant 0 : i32
          %dma_wait3A_489 = tpu.memref_slice %arg11[%dma_wait3A_486, %dma_wait3A_487, %dma_wait3A_488] : memref<8x125x128xbf16, #tpu.memory_space<vmem>> -> memref<1x125x128xbf16, #tpu.memory_space<vmem>>
          %dma_wait3A_490 = tpu.memref_squeeze %dma_wait3A_489 : memref<1x125x128xbf16, #tpu.memory_space<vmem>> -> memref<125x128xbf16, #tpu.memory_space<vmem>>
          %dma_wait3A_491 = arith.constant 0 : i32
          %dma_wait3A_492 = tpu.memref_slice %arg10[%sub3A_485, %dma_wait3A_491] : memref<80x125xi32, #tpu.memory_space<vmem>> -> memref<1x125xi32, #tpu.memory_space<vmem>>
          %dma_wait3A_493 = tpu.memref_squeeze %dma_wait3A_492 : memref<1x125xi32, #tpu.memory_space<vmem>> -> memref<125xi32, #tpu.memory_space<vmem>>
          %dma_wait3A_494 = arith.constant 0 : i32
          %dma_wait3A_495 = arith.constant 0 : i32
          %dma_wait3A_496 = tpu.memref_slice %arg13[%dma_wait3A_494, %dma_wait3A_495] : memref<10112x128xbf16, #tpu.memory_space<vmem_shared>> -> memref<10112x128xbf16, #tpu.memory_space<vmem_shared>>
          tpu.wait_indirect_dma semaphore(%arg25 : memref<!tpu.dma_semaphore, #tpu.memory_space<semaphore_mem>>) src(%dma_wait3A_490 : memref<125x128xbf16, #tpu.memory_space<vmem>>) dst(%dma_wait3A_496 : memref<10112x128xbf16, #tpu.memory_space<vmem_shared>>)
        } else {
        }
        %add3A_472 = arith.constant 4 : i32
        %add3A_473 = arith.addi %add3A_393, %add3A_472 : i32
        %dma_start3A_474 = arith.constant 2 : i32
        %dma_start3A_475 = arith.constant 0 : i32
        %dma_start3A_476 = arith.constant 0 : i32
        %dma_start3A_477 = tpu.memref_slice %arg11[%dma_start3A_474, %dma_start3A_475, %dma_start3A_476] : memref<8x125x128xbf16, #tpu.memory_space<vmem>> -> memref<1x125x128xbf16, #tpu.memory_space<vmem>>
        %dma_start3A_478 = tpu.memref_squeeze %dma_start3A_477 : memref<1x125x128xbf16, #tpu.memory_space<vmem>> -> memref<125x128xbf16, #tpu.memory_space<vmem>>
        %dma_start3A_479 = arith.constant 0 : i32
        %dma_start3A_480 = tpu.memref_slice %arg9[%add3A_473, %dma_start3A_479] : memref<80x125xi32, #tpu.memory_space<vmem>> -> memref<1x125xi32, #tpu.memory_space<vmem>>
        %dma_start3A_481 = tpu.memref_squeeze %dma_start3A_480 : memref<1x125xi32, #tpu.memory_space<vmem>> -> memref<125xi32, #tpu.memory_space<vmem>>
        %dma_start3A_482 = arith.constant 0 : i32
        %dma_start3A_483 = arith.constant 0 : i32
        %dma_start3A_484 = tpu.memref_slice %arg2[%dma_start3A_482, %dma_start3A_483] : memref<10000x128xbf16, #tpu.memory_space<hbm>> -> memref<10000x128xbf16, #tpu.memory_space<hbm>>
        tpu.enqueue_indirect_dma source(%dma_start3A_484 : memref<10000x128xbf16, #tpu.memory_space<hbm>>) target(%dma_start3A_478 : memref<125x128xbf16, #tpu.memory_space<vmem>>) offsets(%dma_start3A_481 : memref<125xi32, #tpu.memory_space<vmem>>) semaphore(%arg17 : memref<!tpu.dma_semaphore, #tpu.memory_space<semaphore_mem>>)
      } else {
      }
      %mul3A_429 = arith.constant 8 : i32
      %mul3A_430 = arith.muli %mul3A_429, %scan3A_158 : i32
      %add3A_431 = arith.constant 7 : i32
      %add3A_432 = arith.addi %mul3A_430, %add3A_431 : i32
      %dma_wait3A_433 = arith.constant 7 : i32
      %dma_wait3A_434 = arith.constant 0 : i32
      %dma_wait3A_435 = arith.constant 0 : i32
      %dma_wait3A_436 = tpu.memref_slice %arg11[%dma_wait3A_433, %dma_wait3A_434, %dma_wait3A_435] : memref<8x125x128xbf16, #tpu.memory_space<vmem>> -> memref<1x125x128xbf16, #tpu.memory_space<vmem>>
      %dma_wait3A_437 = tpu.memref_squeeze %dma_wait3A_436 : memref<1x125x128xbf16, #tpu.memory_space<vmem>> -> memref<125x128xbf16, #tpu.memory_space<vmem>>
      %dma_wait3A_438 = arith.constant 0 : i32
      %dma_wait3A_439 = tpu.memref_slice %arg9[%add3A_432, %dma_wait3A_438] : memref<80x125xi32, #tpu.memory_space<vmem>> -> memref<1x125xi32, #tpu.memory_space<vmem>>
      %dma_wait3A_440 = tpu.memref_squeeze %dma_wait3A_439 : memref<1x125xi32, #tpu.memory_space<vmem>> -> memref<125xi32, #tpu.memory_space<vmem>>
      %dma_wait3A_441 = arith.constant 0 : i32
      %dma_wait3A_442 = arith.constant 0 : i32
      %dma_wait3A_443 = tpu.memref_slice %arg2[%dma_wait3A_441, %dma_wait3A_442] : memref<10000x128xbf16, #tpu.memory_space<hbm>> -> memref<10000x128xbf16, #tpu.memory_space<hbm>>
      tpu.wait_indirect_dma semaphore(%arg22 : memref<!tpu.dma_semaphore, #tpu.memory_space<semaphore_mem>>) src(%dma_wait3A_443 : memref<10000x128xbf16, #tpu.memory_space<hbm>>) dst(%dma_wait3A_437 : memref<125x128xbf16, #tpu.memory_space<vmem>>)
      %dma_start3A_444 = arith.constant 7 : i32
      %dma_start3A_445 = arith.constant 0 : i32
      %dma_start3A_446 = arith.constant 0 : i32
      %dma_start3A_447 = tpu.memref_slice %arg11[%dma_start3A_444, %dma_start3A_445, %dma_start3A_446] : memref<8x125x128xbf16, #tpu.memory_space<vmem>> -> memref<1x125x128xbf16, #tpu.memory_space<vmem>>
      %dma_start3A_448 = tpu.memref_squeeze %dma_start3A_447 : memref<1x125x128xbf16, #tpu.memory_space<vmem>> -> memref<125x128xbf16, #tpu.memory_space<vmem>>
      %dma_start3A_449 = arith.constant 0 : i32
      %dma_start3A_450 = tpu.memref_slice %arg10[%add3A_432, %dma_start3A_449] : memref<80x125xi32, #tpu.memory_space<vmem>> -> memref<1x125xi32, #tpu.memory_space<vmem>>
      %dma_start3A_451 = tpu.memref_squeeze %dma_start3A_450 : memref<1x125xi32, #tpu.memory_space<vmem>> -> memref<125xi32, #tpu.memory_space<vmem>>
      %dma_start3A_452 = arith.constant 0 : i32
      %dma_start3A_453 = arith.constant 0 : i32
      %dma_start3A_454 = tpu.memref_slice %arg13[%dma_start3A_452, %dma_start3A_453] : memref<10112x128xbf16, #tpu.memory_space<vmem_shared>> -> memref<10112x128xbf16, #tpu.memory_space<vmem_shared>>
      tpu.enqueue_indirect_dma source(%dma_start3A_448 : memref<125x128xbf16, #tpu.memory_space<vmem>>) target(%dma_start3A_454 : memref<10112x128xbf16, #tpu.memory_space<vmem_shared>>) offsets(%dma_start3A_451 : memref<125xi32, #tpu.memory_space<vmem>>) semaphore(%arg30 : memref<!tpu.dma_semaphore, #tpu.memory_space<semaphore_mem>>) {add = true}
      %dma_start3A_455 = arith.constant 0 : i32
      %dma_start3A_456 = tpu.memref_slice %arg10[%add3A_432, %dma_start3A_455] : memref<80x125xi32, #tpu.memory_space<vmem>> -> memref<1x125xi32, #tpu.memory_space<vmem>>
      %dma_start3A_457 = tpu.memref_squeeze %dma_start3A_456 : memref<1x125xi32, #tpu.memory_space<vmem>> -> memref<125xi32, #tpu.memory_space<vmem>>
      %dma_start3A_458 = arith.constant 0 : i32
      %dma_start3A_459 = arith.constant 0 : i32
      %dma_start3A_460 = tpu.memref_slice %arg14[%dma_start3A_458, %dma_start3A_459] : memref<10112x16xbf16, #tpu.memory_space<vmem_shared>> -> memref<10112x16xbf16, #tpu.memory_space<vmem_shared>>
      tpu.enqueue_indirect_dma source(%arg12 : memref<125x16xbf16, #tpu.memory_space<vmem>>) target(%dma_start3A_460 : memref<10112x16xbf16, #tpu.memory_space<vmem_shared>>) offsets(%dma_start3A_457 : memref<125xi32, #tpu.memory_space<vmem>>) semaphore(%arg31 : memref<!tpu.dma_semaphore, #tpu.memory_space<semaphore_mem>>) {add = true}
      %add3A_461 = arith.constant 4 : i32
      %add3A_462 = arith.addi %add3A_432, %add3A_461 : i32
      %lt3A_463 = arith.constant 80 : i32
      %lt3A_464 = arith.cmpi slt, %add3A_462, %lt3A_463 : i32
      %convert_element_type3A_465 = arith.extui %lt3A_464 : i1 to i32
      %cond3A_466 = arith.constant 0 : i32
      %cond3A_467 = arith.cmpi ne, %convert_element_type3A_465, %cond3A_466 : i32
      scf.if %cond3A_467 {
        %ge3A = arith.constant 4 : i32
        %ge3A_468 = arith.cmpi sge, %add3A_432, %ge3A : i32
        %convert_element_type3A_469 = arith.extui %ge3A_468 : i1 to i32
        %cond3A_470 = arith.constant 0 : i32
        %cond3A_471 = arith.cmpi ne, %convert_element_type3A_469, %cond3A_470 : i32
        scf.if %cond3A_471 {
          %sub3A = arith.constant 4 : i32
          %sub3A_485 = arith.subi %add3A_432, %sub3A : i32
          %dma_wait3A_486 = arith.constant 3 : i32
          %dma_wait3A_487 = arith.constant 0 : i32
          %dma_wait3A_488 = arith.constant 0 : i32
          %dma_wait3A_489 = tpu.memref_slice %arg11[%dma_wait3A_486, %dma_wait3A_487, %dma_wait3A_488] : memref<8x125x128xbf16, #tpu.memory_space<vmem>> -> memref<1x125x128xbf16, #tpu.memory_space<vmem>>
          %dma_wait3A_490 = tpu.memref_squeeze %dma_wait3A_489 : memref<1x125x128xbf16, #tpu.memory_space<vmem>> -> memref<125x128xbf16, #tpu.memory_space<vmem>>
          %dma_wait3A_491 = arith.constant 0 : i32
          %dma_wait3A_492 = tpu.memref_slice %arg10[%sub3A_485, %dma_wait3A_491] : memref<80x125xi32, #tpu.memory_space<vmem>> -> memref<1x125xi32, #tpu.memory_space<vmem>>
          %dma_wait3A_493 = tpu.memref_squeeze %dma_wait3A_492 : memref<1x125xi32, #tpu.memory_space<vmem>> -> memref<125xi32, #tpu.memory_space<vmem>>
          %dma_wait3A_494 = arith.constant 0 : i32
          %dma_wait3A_495 = arith.constant 0 : i32
          %dma_wait3A_496 = tpu.memref_slice %arg13[%dma_wait3A_494, %dma_wait3A_495] : memref<10112x128xbf16, #tpu.memory_space<vmem_shared>> -> memref<10112x128xbf16, #tpu.memory_space<vmem_shared>>
          tpu.wait_indirect_dma semaphore(%arg26 : memref<!tpu.dma_semaphore, #tpu.memory_space<semaphore_mem>>) src(%dma_wait3A_490 : memref<125x128xbf16, #tpu.memory_space<vmem>>) dst(%dma_wait3A_496 : memref<10112x128xbf16, #tpu.memory_space<vmem_shared>>)
        } else {
        }
        %add3A_472 = arith.constant 4 : i32
        %add3A_473 = arith.addi %add3A_432, %add3A_472 : i32
        %dma_start3A_474 = arith.constant 3 : i32
        %dma_start3A_475 = arith.constant 0 : i32
        %dma_start3A_476 = arith.constant 0 : i32
        %dma_start3A_477 = tpu.memref_slice %arg11[%dma_start3A_474, %dma_start3A_475, %dma_start3A_476] : memref<8x125x128xbf16, #tpu.memory_space<vmem>> -> memref<1x125x128xbf16, #tpu.memory_space<vmem>>
        %dma_start3A_478 = tpu.memref_squeeze %dma_start3A_477 : memref<1x125x128xbf16, #tpu.memory_space<vmem>> -> memref<125x128xbf16, #tpu.memory_space<vmem>>
        %dma_start3A_479 = arith.constant 0 : i32
        %dma_start3A_480 = tpu.memref_slice %arg9[%add3A_473, %dma_start3A_479] : memref<80x125xi32, #tpu.memory_space<vmem>> -> memref<1x125xi32, #tpu.memory_space<vmem>>
        %dma_start3A_481 = tpu.memref_squeeze %dma_start3A_480 : memref<1x125xi32, #tpu.memory_space<vmem>> -> memref<125xi32, #tpu.memory_space<vmem>>
        %dma_start3A_482 = arith.constant 0 : i32
        %dma_start3A_483 = arith.constant 0 : i32
        %dma_start3A_484 = tpu.memref_slice %arg2[%dma_start3A_482, %dma_start3A_483] : memref<10000x128xbf16, #tpu.memory_space<hbm>> -> memref<10000x128xbf16, #tpu.memory_space<hbm>>
        tpu.enqueue_indirect_dma source(%dma_start3A_484 : memref<10000x128xbf16, #tpu.memory_space<hbm>>) target(%dma_start3A_478 : memref<125x128xbf16, #tpu.memory_space<vmem>>) offsets(%dma_start3A_481 : memref<125xi32, #tpu.memory_space<vmem>>) semaphore(%arg18 : memref<!tpu.dma_semaphore, #tpu.memory_space<semaphore_mem>>)
      } else {
      }
    }
    %scan3A_55 = arith.constant 10 : i32
    %dma_wait3A = arith.constant 0 : i32
    %dma_wait3A_56 = arith.constant 72 : i32
    %dma_wait3A_57 = arith.constant 0 : i32
    %dma_wait3A_58 = arith.constant 0 : i32
    %dma_wait3A_59 = tpu.memref_slice %arg11[%dma_wait3A, %dma_wait3A_57, %dma_wait3A_58] : memref<8x125x128xbf16, #tpu.memory_space<vmem>> -> memref<1x125x128xbf16, #tpu.memory_space<vmem>>
    %dma_wait3A_60 = tpu.memref_squeeze %dma_wait3A_59 : memref<1x125x128xbf16, #tpu.memory_space<vmem>> -> memref<125x128xbf16, #tpu.memory_space<vmem>>
    %dma_wait3A_61 = arith.constant 0 : i32
    %dma_wait3A_62 = tpu.memref_slice %arg10[%dma_wait3A_56, %dma_wait3A_61] : memref<80x125xi32, #tpu.memory_space<vmem>> -> memref<1x125xi32, #tpu.memory_space<vmem>>
    %dma_wait3A_63 = tpu.memref_squeeze %dma_wait3A_62 : memref<1x125xi32, #tpu.memory_space<vmem>> -> memref<125xi32, #tpu.memory_space<vmem>>
    %dma_wait3A_64 = arith.constant 0 : i32
    %dma_wait3A_65 = arith.constant 0 : i32
    %dma_wait3A_66 = tpu.memref_slice %arg13[%dma_wait3A_64, %dma_wait3A_65] : memref<10112x128xbf16, #tpu.memory_space<vmem_shared>> -> memref<10112x128xbf16, #tpu.memory_space<vmem_shared>>
    tpu.wait_indirect_dma semaphore(%arg23 : memref<!tpu.dma_semaphore, #tpu.memory_space<semaphore_mem>>) src(%dma_wait3A_60 : memref<125x128xbf16, #tpu.memory_space<vmem>>) dst(%dma_wait3A_66 : memref<10112x128xbf16, #tpu.memory_space<vmem_shared>>)
    %dma_wait3A_67 = arith.constant 1 : i32
    %dma_wait3A_68 = arith.constant 73 : i32
    %dma_wait3A_69 = arith.constant 0 : i32
    %dma_wait3A_70 = arith.constant 0 : i32
    %dma_wait3A_71 = tpu.memref_slice %arg11[%dma_wait3A_67, %dma_wait3A_69, %dma_wait3A_70] : memref<8x125x128xbf16, #tpu.memory_space<vmem>> -> memref<1x125x128xbf16, #tpu.memory_space<vmem>>
    %dma_wait3A_72 = tpu.memref_squeeze %dma_wait3A_71 : memref<1x125x128xbf16, #tpu.memory_space<vmem>> -> memref<125x128xbf16, #tpu.memory_space<vmem>>
    %dma_wait3A_73 = arith.constant 0 : i32
    %dma_wait3A_74 = tpu.memref_slice %arg10[%dma_wait3A_68, %dma_wait3A_73] : memref<80x125xi32, #tpu.memory_space<vmem>> -> memref<1x125xi32, #tpu.memory_space<vmem>>
    %dma_wait3A_75 = tpu.memref_squeeze %dma_wait3A_74 : memref<1x125xi32, #tpu.memory_space<vmem>> -> memref<125xi32, #tpu.memory_space<vmem>>
    %dma_wait3A_76 = arith.constant 0 : i32
    %dma_wait3A_77 = arith.constant 0 : i32
    %dma_wait3A_78 = tpu.memref_slice %arg13[%dma_wait3A_76, %dma_wait3A_77] : memref<10112x128xbf16, #tpu.memory_space<vmem_shared>> -> memref<10112x128xbf16, #tpu.memory_space<vmem_shared>>
    tpu.wait_indirect_dma semaphore(%arg24 : memref<!tpu.dma_semaphore, #tpu.memory_space<semaphore_mem>>) src(%dma_wait3A_72 : memref<125x128xbf16, #tpu.memory_space<vmem>>) dst(%dma_wait3A_78 : memref<10112x128xbf16, #tpu.memory_space<vmem_shared>>)
    %dma_wait3A_79 = arith.constant 2 : i32
    %dma_wait3A_80 = arith.constant 74 : i32
    %dma_wait3A_81 = arith.constant 0 : i32
    %dma_wait3A_82 = arith.constant 0 : i32
    %dma_wait3A_83 = tpu.memref_slice %arg11[%dma_wait3A_79, %dma_wait3A_81, %dma_wait3A_82] : memref<8x125x128xbf16, #tpu.memory_space<vmem>> -> memref<1x125x128xbf16, #tpu.memory_space<vmem>>
    %dma_wait3A_84 = tpu.memref_squeeze %dma_wait3A_83 : memref<1x125x128xbf16, #tpu.memory_space<vmem>> -> memref<125x128xbf16, #tpu.memory_space<vmem>>
    %dma_wait3A_85 = arith.constant 0 : i32
    %dma_wait3A_86 = tpu.memref_slice %arg10[%dma_wait3A_80, %dma_wait3A_85] : memref<80x125xi32, #tpu.memory_space<vmem>> -> memref<1x125xi32, #tpu.memory_space<vmem>>
    %dma_wait3A_87 = tpu.memref_squeeze %dma_wait3A_86 : memref<1x125xi32, #tpu.memory_space<vmem>> -> memref<125xi32, #tpu.memory_space<vmem>>
    %dma_wait3A_88 = arith.constant 0 : i32
    %dma_wait3A_89 = arith.constant 0 : i32
    %dma_wait3A_90 = tpu.memref_slice %arg13[%dma_wait3A_88, %dma_wait3A_89] : memref<10112x128xbf16, #tpu.memory_space<vmem_shared>> -> memref<10112x128xbf16, #tpu.memory_space<vmem_shared>>
    tpu.wait_indirect_dma semaphore(%arg25 : memref<!tpu.dma_semaphore, #tpu.memory_space<semaphore_mem>>) src(%dma_wait3A_84 : memref<125x128xbf16, #tpu.memory_space<vmem>>) dst(%dma_wait3A_90 : memref<10112x128xbf16, #tpu.memory_space<vmem_shared>>)
    %dma_wait3A_91 = arith.constant 3 : i32
    %dma_wait3A_92 = arith.constant 75 : i32
    %dma_wait3A_93 = arith.constant 0 : i32
    %dma_wait3A_94 = arith.constant 0 : i32
    %dma_wait3A_95 = tpu.memref_slice %arg11[%dma_wait3A_91, %dma_wait3A_93, %dma_wait3A_94] : memref<8x125x128xbf16, #tpu.memory_space<vmem>> -> memref<1x125x128xbf16, #tpu.memory_space<vmem>>
    %dma_wait3A_96 = tpu.memref_squeeze %dma_wait3A_95 : memref<1x125x128xbf16, #tpu.memory_space<vmem>> -> memref<125x128xbf16, #tpu.memory_space<vmem>>
    %dma_wait3A_97 = arith.constant 0 : i32
    %dma_wait3A_98 = tpu.memref_slice %arg10[%dma_wait3A_92, %dma_wait3A_97] : memref<80x125xi32, #tpu.memory_space<vmem>> -> memref<1x125xi32, #tpu.memory_space<vmem>>
    %dma_wait3A_99 = tpu.memref_squeeze %dma_wait3A_98 : memref<1x125xi32, #tpu.memory_space<vmem>> -> memref<125xi32, #tpu.memory_space<vmem>>
    %dma_wait3A_100 = arith.constant 0 : i32
    %dma_wait3A_101 = arith.constant 0 : i32
    %dma_wait3A_102 = tpu.memref_slice %arg13[%dma_wait3A_100, %dma_wait3A_101] : memref<10112x128xbf16, #tpu.memory_space<vmem_shared>> -> memref<10112x128xbf16, #tpu.memory_space<vmem_shared>>
    tpu.wait_indirect_dma semaphore(%arg26 : memref<!tpu.dma_semaphore, #tpu.memory_space<semaphore_mem>>) src(%dma_wait3A_96 : memref<125x128xbf16, #tpu.memory_space<vmem>>) dst(%dma_wait3A_102 : memref<10112x128xbf16, #tpu.memory_space<vmem_shared>>)
    %dma_wait3A_103 = arith.constant 4 : i32
    %dma_wait3A_104 = arith.constant 76 : i32
    %dma_wait3A_105 = arith.constant 0 : i32
    %dma_wait3A_106 = arith.constant 0 : i32
    %dma_wait3A_107 = tpu.memref_slice %arg11[%dma_wait3A_103, %dma_wait3A_105, %dma_wait3A_106] : memref<8x125x128xbf16, #tpu.memory_space<vmem>> -> memref<1x125x128xbf16, #tpu.memory_space<vmem>>
    %dma_wait3A_108 = tpu.memref_squeeze %dma_wait3A_107 : memref<1x125x128xbf16, #tpu.memory_space<vmem>> -> memref<125x128xbf16, #tpu.memory_space<vmem>>
    %dma_wait3A_109 = arith.constant 0 : i32
    %dma_wait3A_110 = tpu.memref_slice %arg10[%dma_wait3A_104, %dma_wait3A_109] : memref<80x125xi32, #tpu.memory_space<vmem>> -> memref<1x125xi32, #tpu.memory_space<vmem>>
    %dma_wait3A_111 = tpu.memref_squeeze %dma_wait3A_110 : memref<1x125xi32, #tpu.memory_space<vmem>> -> memref<125xi32, #tpu.memory_space<vmem>>
    %dma_wait3A_112 = arith.constant 0 : i32
    %dma_wait3A_113 = arith.constant 0 : i32
    %dma_wait3A_114 = tpu.memref_slice %arg13[%dma_wait3A_112, %dma_wait3A_113] : memref<10112x128xbf16, #tpu.memory_space<vmem_shared>> -> memref<10112x128xbf16, #tpu.memory_space<vmem_shared>>
    tpu.wait_indirect_dma semaphore(%arg27 : memref<!tpu.dma_semaphore, #tpu.memory_space<semaphore_mem>>) src(%dma_wait3A_108 : memref<125x128xbf16, #tpu.memory_space<vmem>>) dst(%dma_wait3A_114 : memref<10112x128xbf16, #tpu.memory_space<vmem_shared>>)
    %dma_wait3A_115 = arith.constant 5 : i32
    %dma_wait3A_116 = arith.constant 77 : i32
    %dma_wait3A_117 = arith.constant 0 : i32
    %dma_wait3A_118 = arith.constant 0 : i32
    %dma_wait3A_119 = tpu.memref_slice %arg11[%dma_wait3A_115, %dma_wait3A_117, %dma_wait3A_118] : memref<8x125x128xbf16, #tpu.memory_space<vmem>> -> memref<1x125x128xbf16, #tpu.memory_space<vmem>>
    %dma_wait3A_120 = tpu.memref_squeeze %dma_wait3A_119 : memref<1x125x128xbf16, #tpu.memory_space<vmem>> -> memref<125x128xbf16, #tpu.memory_space<vmem>>
    %dma_wait3A_121 = arith.constant 0 : i32
    %dma_wait3A_122 = tpu.memref_slice %arg10[%dma_wait3A_116, %dma_wait3A_121] : memref<80x125xi32, #tpu.memory_space<vmem>> -> memref<1x125xi32, #tpu.memory_space<vmem>>
    %dma_wait3A_123 = tpu.memref_squeeze %dma_wait3A_122 : memref<1x125xi32, #tpu.memory_space<vmem>> -> memref<125xi32, #tpu.memory_space<vmem>>
    %dma_wait3A_124 = arith.constant 0 : i32
    %dma_wait3A_125 = arith.constant 0 : i32
    %dma_wait3A_126 = tpu.memref_slice %arg13[%dma_wait3A_124, %dma_wait3A_125] : memref<10112x128xbf16, #tpu.memory_space<vmem_shared>> -> memref<10112x128xbf16, #tpu.memory_space<vmem_shared>>
    tpu.wait_indirect_dma semaphore(%arg28 : memref<!tpu.dma_semaphore, #tpu.memory_space<semaphore_mem>>) src(%dma_wait3A_120 : memref<125x128xbf16, #tpu.memory_space<vmem>>) dst(%dma_wait3A_126 : memref<10112x128xbf16, #tpu.memory_space<vmem_shared>>)
    %dma_wait3A_127 = arith.constant 6 : i32
    %dma_wait3A_128 = arith.constant 78 : i32
    %dma_wait3A_129 = arith.constant 0 : i32
    %dma_wait3A_130 = arith.constant 0 : i32
    %dma_wait3A_131 = tpu.memref_slice %arg11[%dma_wait3A_127, %dma_wait3A_129, %dma_wait3A_130] : memref<8x125x128xbf16, #tpu.memory_space<vmem>> -> memref<1x125x128xbf16, #tpu.memory_space<vmem>>
    %dma_wait3A_132 = tpu.memref_squeeze %dma_wait3A_131 : memref<1x125x128xbf16, #tpu.memory_space<vmem>> -> memref<125x128xbf16, #tpu.memory_space<vmem>>
    %dma_wait3A_133 = arith.constant 0 : i32
    %dma_wait3A_134 = tpu.memref_slice %arg10[%dma_wait3A_128, %dma_wait3A_133] : memref<80x125xi32, #tpu.memory_space<vmem>> -> memref<1x125xi32, #tpu.memory_space<vmem>>
    %dma_wait3A_135 = tpu.memref_squeeze %dma_wait3A_134 : memref<1x125xi32, #tpu.memory_space<vmem>> -> memref<125xi32, #tpu.memory_space<vmem>>
    %dma_wait3A_136 = arith.constant 0 : i32
    %dma_wait3A_137 = arith.constant 0 : i32
    %dma_wait3A_138 = tpu.memref_slice %arg13[%dma_wait3A_136, %dma_wait3A_137] : memref<10112x128xbf16, #tpu.memory_space<vmem_shared>> -> memref<10112x128xbf16, #tpu.memory_space<vmem_shared>>
    tpu.wait_indirect_dma semaphore(%arg29 : memref<!tpu.dma_semaphore, #tpu.memory_space<semaphore_mem>>) src(%dma_wait3A_132 : memref<125x128xbf16, #tpu.memory_space<vmem>>) dst(%dma_wait3A_138 : memref<10112x128xbf16, #tpu.memory_space<vmem_shared>>)
    %dma_wait3A_139 = arith.constant 7 : i32
    %dma_wait3A_140 = arith.constant 79 : i32
    %dma_wait3A_141 = arith.constant 0 : i32
    %dma_wait3A_142 = arith.constant 0 : i32
    %dma_wait3A_143 = tpu.memref_slice %arg11[%dma_wait3A_139, %dma_wait3A_141, %dma_wait3A_142] : memref<8x125x128xbf16, #tpu.memory_space<vmem>> -> memref<1x125x128xbf16, #tpu.memory_space<vmem>>
    %dma_wait3A_144 = tpu.memref_squeeze %dma_wait3A_143 : memref<1x125x128xbf16, #tpu.memory_space<vmem>> -> memref<125x128xbf16, #tpu.memory_space<vmem>>
    %dma_wait3A_145 = arith.constant 0 : i32
    %dma_wait3A_146 = tpu.memref_slice %arg10[%dma_wait3A_140, %dma_wait3A_145] : memref<80x125xi32, #tpu.memory_space<vmem>> -> memref<1x125xi32, #tpu.memory_space<vmem>>
    %dma_wait3A_147 = tpu.memref_squeeze %dma_wait3A_146 : memref<1x125xi32, #tpu.memory_space<vmem>> -> memref<125xi32, #tpu.memory_space<vmem>>
    %dma_wait3A_148 = arith.constant 0 : i32
    %dma_wait3A_149 = arith.constant 0 : i32
    %dma_wait3A_150 = tpu.memref_slice %arg13[%dma_wait3A_148, %dma_wait3A_149] : memref<10112x128xbf16, #tpu.memory_space<vmem_shared>> -> memref<10112x128xbf16, #tpu.memory_space<vmem_shared>>
    tpu.wait_indirect_dma semaphore(%arg30 : memref<!tpu.dma_semaphore, #tpu.memory_space<semaphore_mem>>) src(%dma_wait3A_144 : memref<125x128xbf16, #tpu.memory_space<vmem>>) dst(%dma_wait3A_150 : memref<10112x128xbf16, #tpu.memory_space<vmem_shared>>)
    %scan3A_151 = arith.constant 0 : i32
    %scan3A_152 = arith.constant 0 : i32
    %scan3A_153 = arith.constant 80 : i32
    %scan3A_154 = arith.addi %scan3A_152, %scan3A_153 : i32
    %scan3A_155 = arith.constant 1 : i32
    scf.for %scan3A_158 = %scan3A_152 to %scan3A_154 step %scan3A_155  : i32 {
      %dma_wait3A_159 = arith.constant 0 : i32
      %dma_wait3A_160 = tpu.memref_slice %arg10[%scan3A_158, %dma_wait3A_159] : memref<80x125xi32, #tpu.memory_space<vmem>> -> memref<1x125xi32, #tpu.memory_space<vmem>>
      %dma_wait3A_161 = tpu.memref_squeeze %dma_wait3A_160 : memref<1x125xi32, #tpu.memory_space<vmem>> -> memref<125xi32, #tpu.memory_space<vmem>>
      %dma_wait3A_162 = arith.constant 0 : i32
      %dma_wait3A_163 = arith.constant 0 : i32
      %dma_wait3A_164 = tpu.memref_slice %arg14[%dma_wait3A_162, %dma_wait3A_163] : memref<10112x16xbf16, #tpu.memory_space<vmem_shared>> -> memref<10112x16xbf16, #tpu.memory_space<vmem_shared>>
      tpu.wait_indirect_dma semaphore(%arg31 : memref<!tpu.dma_semaphore, #tpu.memory_space<semaphore_mem>>) src(%arg12 : memref<125x16xbf16, #tpu.memory_space<vmem>>) dst(%dma_wait3A_164 : memref<10112x16xbf16, #tpu.memory_space<vmem_shared>>)
    }
    %scan3A_156 = arith.constant 80 : i32
    %barrier3A_157 = arith.constant 0 : index
    tpu.barrier barrier_id(%barrier3A_157)
    "tpu.region"() ({
      %run_scoped3A_158 = tpu.sem_alloc : memref<!tpu.dma_semaphore, #tpu.memory_space<semaphore_mem>>
      %dma_start3A_159 = arith.constant 0 : i32
      %dma_start3A_160 = tpu.memref_slice %arg7[%arg0, %mul3A_3, %dma_start3A_159] : memref<2x10112x128xbf16, #tpu.memory_space<hbm>> -> memref<1x632x128xbf16, #tpu.memory_space<hbm>>
      %dma_start3A_161 = tpu.memref_squeeze %dma_start3A_160 : memref<1x632x128xbf16, #tpu.memory_space<hbm>> -> memref<632x128xbf16, #tpu.memory_space<hbm>>
      %dma_start3A_162 = arith.constant 0 : i32
      %dma_start3A_163 = tpu.memref_slice %arg13[%mul3A_3, %dma_start3A_162] : memref<10112x128xbf16, #tpu.memory_space<vmem_shared>> -> memref<632x128xbf16, #tpu.memory_space<vmem_shared>>
      tpu.enqueue_dma source(%dma_start3A_163 : memref<632x128xbf16, #tpu.memory_space<vmem_shared>>) target(%dma_start3A_161 : memref<632x128xbf16, #tpu.memory_space<hbm>>) target_semaphore(%run_scoped3A_158 : memref<!tpu.dma_semaphore, #tpu.memory_space<semaphore_mem>>)
      %dma_wait3A_164 = arith.constant 0 : i32
      %dma_wait3A_165 = tpu.memref_slice %arg7[%arg0, %mul3A_3, %dma_wait3A_164] : memref<2x10112x128xbf16, #tpu.memory_space<hbm>> -> memref<1x632x128xbf16, #tpu.memory_space<hbm>>
      %dma_wait3A_166 = tpu.memref_squeeze %dma_wait3A_165 : memref<1x632x128xbf16, #tpu.memory_space<hbm>> -> memref<632x128xbf16, #tpu.memory_space<hbm>>
      %dma_wait3A_167 = arith.constant 0 : i32
      %dma_wait3A_168 = tpu.memref_slice %arg13[%mul3A_3, %dma_wait3A_167] : memref<10112x128xbf16, #tpu.memory_space<vmem_shared>> -> memref<632x128xbf16, #tpu.memory_space<vmem_shared>>
      tpu.wait_dma2 semaphore(%run_scoped3A_158 : memref<!tpu.dma_semaphore, #tpu.memory_space<semaphore_mem>>) src(%dma_wait3A_168 : memref<632x128xbf16, #tpu.memory_space<vmem_shared>>) dst(%dma_wait3A_166 : memref<632x128xbf16, #tpu.memory_space<hbm>>)
      tpu.yield
    }) : () -> ()
    "tpu.region"() ({
      %run_scoped3A_158 = tpu.sem_alloc : memref<!tpu.dma_semaphore, #tpu.memory_space<semaphore_mem>>
      %dma_start3A_159 = arith.constant 0 : i32
      %dma_start3A_160 = tpu.memref_slice %arg8[%arg0, %mul3A_3, %dma_start3A_159] : memref<2x10112x16xbf16, #tpu.memory_space<hbm>> -> memref<1x632x16xbf16, #tpu.memory_space<hbm>>
      %dma_start3A_161 = tpu.memref_squeeze %dma_start3A_160 : memref<1x632x16xbf16, #tpu.memory_space<hbm>> -> memref<632x16xbf16, #tpu.memory_space<hbm>>
      %dma_start3A_162 = arith.constant 0 : i32
      %dma_start3A_163 = tpu.memref_slice %arg14[%mul3A_3, %dma_start3A_162] : memref<10112x16xbf16, #tpu.memory_space<vmem_shared>> -> memref<632x16xbf16, #tpu.memory_space<vmem_shared>>
      tpu.enqueue_dma source(%dma_start3A_163 : memref<632x16xbf16, #tpu.memory_space<vmem_shared>>) target(%dma_start3A_161 : memref<632x16xbf16, #tpu.memory_space<hbm>>) target_semaphore(%run_scoped3A_158 : memref<!tpu.dma_semaphore, #tpu.memory_space<semaphore_mem>>)
      %dma_wait3A_164 = arith.constant 0 : i32
      %dma_wait3A_165 = tpu.memref_slice %arg8[%arg0, %mul3A_3, %dma_wait3A_164] : memref<2x10112x16xbf16, #tpu.memory_space<hbm>> -> memref<1x632x16xbf16, #tpu.memory_space<hbm>>
      %dma_wait3A_166 = tpu.memref_squeeze %dma_wait3A_165 : memref<1x632x16xbf16, #tpu.memory_space<hbm>> -> memref<632x16xbf16, #tpu.memory_space<hbm>>
      %dma_wait3A_167 = arith.constant 0 : i32
      %dma_wait3A_168 = tpu.memref_slice %arg14[%mul3A_3, %dma_wait3A_167] : memref<10112x16xbf16, #tpu.memory_space<vmem_shared>> -> memref<632x16xbf16, #tpu.memory_space<vmem_shared>>
      tpu.wait_dma2 semaphore(%run_scoped3A_158 : memref<!tpu.dma_semaphore, #tpu.memory_space<semaphore_mem>>) src(%dma_wait3A_168 : memref<632x16xbf16, #tpu.memory_space<vmem_shared>>) dst(%dma_wait3A_166 : memref<632x16xbf16, #tpu.memory_space<hbm>>)
      tpu.yield
    }) : () -> ()
    return
  }
}

module attributes {stable_mosaic.version = 14 : i64} {
  func.func @_tc_self_body(%arg0: i32, %arg1: memref<2000x128xf32, #tpu.memory_space<vmem>>, %arg2: memref<128x128xf32, #tpu.memory_space<vmem>>, %arg3: memref<1x128xf32, #tpu.memory_space<vmem>>, %arg4: memref<2000x128xf32, #tpu.memory_space<vmem>>) attributes {dimension_semantics = [#tpu.dimension_semantics<arbitrary>], iteration_bounds = array<i64: 5>, scalar_prefetch = 0 : i64, scratch_operands = 0 : i64, tpu.core_type = #tpu.core_type<tc>, window_params = [{transform_indices = @transform_0, window_bounds = array<i64: 2000, 128>}, {pipeline_mode = #tpu.pipeline_mode<synchronous>, transform_indices = @transform_1, window_bounds = array<i64: 128, 128>}, {pipeline_mode = #tpu.pipeline_mode<synchronous>, transform_indices = @transform_2, window_bounds = array<i64: 1, 128>}, {transform_indices = @transform_3, window_bounds = array<i64: 2000, 128>}]} {
    %get3A = arith.constant 0 : index
    %get3A_0 = arith.constant 0 : index
    %get3A_1 = vector.load %arg1[%get3A, %get3A_0] : memref<2000x128xf32, #tpu.memory_space<vmem>>, vector<2000x128xf32>
    %get3A_2 = arith.constant 0 : index
    %get3A_3 = arith.constant 0 : index
    %get3A_4 = vector.load %arg2[%get3A_2, %get3A_3] : memref<128x128xf32, #tpu.memory_space<vmem>>, vector<128x128xf32>
    %dot_general3A = arith.constant dense<0.000000e+00> : vector<2000x128xf32>
    %dot_general3A_5 = tpu.matmul %get3A_1, %get3A_4, %dot_general3A {dimension_numbers = #tpu.dot_dimension_numbers<[1], [0], [0], [1], [0, 0, 1, 1], [], []>, transpose_lhs_hint = false} : vector<2000x128xf32>, vector<128x128xf32>, vector<2000x128xf32> -> vector<2000x128xf32>
    %get3A_6 = arith.constant 0 : index
    %get3A_7 = arith.constant 0 : index
    %get3A_8 = vector.load %arg3[%get3A_6, %get3A_7] : memref<1x128xf32, #tpu.memory_space<vmem>>, vector<1x128xf32>
    %add3A = vector.broadcast %get3A_8 : vector<1x128xf32> to vector<2000x128xf32>
    %add3A_9 = arith.addf %dot_general3A_5, %add3A : vector<2000x128xf32>
    %swap3A = arith.constant 0 : index
    %swap3A_10 = arith.constant 0 : index
    %swap3A_11 = vector.load %arg4[%swap3A, %swap3A_10] : memref<2000x128xf32, #tpu.memory_space<vmem>>, vector<2000x128xf32>
    tpu.vector_store %arg4[%swap3A, %swap3A_10], %add3A_9 {strides = array<i32>} : memref<2000x128xf32, #tpu.memory_space<vmem>>, vector<2000x128xf32>,
    return
  }
  func.func @transform_0(%arg0: i32) -> (i32, i32) {
    %c0_i32 = arith.constant 0 : i32
    %c0_i32_0 = arith.constant 0 : i32
    return %arg0, %c0_i32 : i32, i32
  }
  func.func @transform_1(%arg0: i32) -> (i32, i32) {
    %c0_i32 = arith.constant 0 : i32
    %c0_i32_0 = arith.constant 0 : i32
    %c0_i32_1 = arith.constant 0 : i32
    return %c0_i32, %c0_i32_0 : i32, i32
  }
  func.func @transform_2(%arg0: i32) -> (i32, i32) {
    %c0_i32 = arith.constant 0 : i32
    %c0_i32_0 = arith.constant 0 : i32
    %c0_i32_1 = arith.constant 0 : i32
    return %c0_i32, %c0_i32_0 : i32, i32
  }
  func.func @transform_3(%arg0: i32) -> (i32, i32) {
    %c0_i32 = arith.constant 0 : i32
    %c0_i32_0 = arith.constant 0 : i32
    return %arg0, %c0_i32 : i32, i32
  }
}

module attributes {stable_mosaic.version = 14 : i64} {
  func.func @_tc_neigh_body(%arg0: i32, %arg1: memref<2000x128xf32, #tpu.memory_space<vmem>>, %arg2: memref<2000x128xf32, #tpu.memory_space<vmem>>, %arg3: memref<2000x16xf32, #tpu.memory_space<vmem>>, %arg4: memref<128x128xf32, #tpu.memory_space<vmem>>, %arg5: memref<2000x128xf32, #tpu.memory_space<vmem>>) attributes {dimension_semantics = [#tpu.dimension_semantics<arbitrary>], iteration_bounds = array<i64: 5>, scalar_prefetch = 0 : i64, scratch_operands = 0 : i64, tpu.core_type = #tpu.core_type<tc>, window_params = [{transform_indices = @transform_0, window_bounds = array<i64: 2000, 128>}, {transform_indices = @transform_1, window_bounds = array<i64: 2000, 128>}, {transform_indices = @transform_2, window_bounds = array<i64: 2000, 16>}, {pipeline_mode = #tpu.pipeline_mode<synchronous>, transform_indices = @transform_3, window_bounds = array<i64: 128, 128>}, {transform_indices = @transform_4, window_bounds = array<i64: 2000, 128>}]} {
    %get3A = arith.constant 0 : index
    %get3A_0 = arith.constant 0 : index
    %get3A_1 = vector.load %arg3[%get3A, %get3A_0] : memref<2000x16xf32, #tpu.memory_space<vmem>>, vector<2000x1xf32>
    %max3A = arith.constant 1.000000e+00 : f32
    %max3A_2 = vector.broadcast %max3A : f32 to vector<2000x1xf32>
    %max3A_3 = arith.maximumf %get3A_1, %max3A_2 : vector<2000x1xf32>
    %div3A = arith.constant 1.000000e+00 : f32
    %div3A_4 = vector.broadcast %div3A : f32 to vector<2000x1xf32>
    %div3A_5 = arith.divf %div3A_4, %max3A_3 : vector<2000x1xf32>
    %get3A_6 = arith.constant 0 : index
    %get3A_7 = arith.constant 0 : index
    %get3A_8 = vector.load %arg1[%get3A_6, %get3A_7] : memref<2000x128xf32, #tpu.memory_space<vmem>>, vector<2000x128xf32>
    %get3A_9 = arith.constant 0 : index
    %get3A_10 = arith.constant 0 : index
    %get3A_11 = vector.load %arg2[%get3A_9, %get3A_10] : memref<2000x128xf32, #tpu.memory_space<vmem>>, vector<2000x128xf32>
    %mul3A = vector.broadcast %div3A_5 : vector<2000x1xf32> to vector<2000x128xf32>
    %mul3A_12 = arith.mulf %get3A_11, %mul3A : vector<2000x128xf32>
    %get3A_13 = arith.constant 0 : index
    %get3A_14 = arith.constant 0 : index
    %get3A_15 = vector.load %arg4[%get3A_13, %get3A_14] : memref<128x128xf32, #tpu.memory_space<vmem>>, vector<128x128xf32>
    %dot_general3A = arith.constant dense<0.000000e+00> : vector<2000x128xf32>
    %dot_general3A_16 = tpu.matmul %mul3A_12, %get3A_15, %dot_general3A {dimension_numbers = #tpu.dot_dimension_numbers<[1], [0], [0], [1], [0, 0, 1, 1], [], []>, transpose_lhs_hint = false} : vector<2000x128xf32>, vector<128x128xf32>, vector<2000x128xf32> -> vector<2000x128xf32>
    %add3A = arith.addf %get3A_8, %dot_general3A_16 : vector<2000x128xf32>
    %swap3A = arith.constant 0 : index
    %swap3A_17 = arith.constant 0 : index
    %swap3A_18 = vector.load %arg5[%swap3A, %swap3A_17] : memref<2000x128xf32, #tpu.memory_space<vmem>>, vector<2000x128xf32>
    tpu.vector_store %arg5[%swap3A, %swap3A_17], %add3A {strides = array<i32>} : memref<2000x128xf32, #tpu.memory_space<vmem>>, vector<2000x128xf32>,
    return
  }
  func.func @transform_0(%arg0: i32) -> (i32, i32) {
    %c0_i32 = arith.constant 0 : i32
    %c0_i32_0 = arith.constant 0 : i32
    return %arg0, %c0_i32 : i32, i32
  }
  func.func @transform_1(%arg0: i32) -> (i32, i32) {
    %c0_i32 = arith.constant 0 : i32
    %c0_i32_0 = arith.constant 0 : i32
    return %arg0, %c0_i32 : i32, i32
  }
  func.func @transform_2(%arg0: i32) -> (i32, i32) {
    %c0_i32 = arith.constant 0 : i32
    %c0_i32_0 = arith.constant 0 : i32
    return %arg0, %c0_i32 : i32, i32
  }
  func.func @transform_3(%arg0: i32) -> (i32, i32) {
    %c0_i32 = arith.constant 0 : i32
    %c0_i32_0 = arith.constant 0 : i32
    %c0_i32_1 = arith.constant 0 : i32
    return %c0_i32, %c0_i32_0 : i32, i32
  }
  func.func @transform_4(%arg0: i32) -> (i32, i32) {
    %c0_i32 = arith.constant 0 : i32
    %c0_i32_0 = arith.constant 0 : i32
    return %arg0, %c0_i32 : i32, i32
  }
}

</mosaic_0001>

<sc_bundles>
// kernel: kernel.5.cloned.1.call-start
scs
__scs_entry_jumppad:
0x0: {  	(pc) =	sbr.rel $0x88, $3  }
0x1: {  	(tag) =	ssettag $0x0;
	lr =	simm.s32 $0x1  }
0x2: {  	[smem:$0x3F9D] =	sst lr;
	_ =	strace $0xD0000000  }
0x3: {  	_ = 	snop  }
0x4: {  	_ = 	snop  }
0x5: {  	_ = 	snop  }
0x6: {  	_ = 	snop  }
0x7: {  	_ = 	snop  }
__scs_overlays_trampoline_lowered:
0x8: {  	[smem:$0x3FAC] =	sst s0  }
0x9: {  	[smem:$0x3FAD] =	sst s1  }
0xa: {  	[smem:$0x3FAE] =	sst s2  }
0xb: {  	[smem:$0x3FAF] =	sst s3  }
0xc: {  	[smem:$0x3FB0] =	sst s4  }
0xd: {  	[smem:$0x3FB1] =	sst s5  }
0xe: {  	[smem:$0x3FB2] =	sst s6  }
0xf: {  	[smem:$0x3FB3] =	sst s7  }
0x10: {  	[smem:$0x3FB4] =	sst s8  }
0x11: {  	[smem:$0x3FB5] =	sst s9;
	s0 =	simm.s32 @!p0 $0x0  }
0x12: {  	s1 =	sld [smem:$0x3F9B];
	s0 =	simm.s32 @p0 $0x1  }
0x13: {  	[smem:$0x3FB6] =	sst s0;
	s0 =	simm.s32 @!p1 $0x0  }
0x14: {  	s2 =	sld [smem:$0x3F9A];
	s0 =	simm.s32 @p1 $0x1  }
0x15: {  	[smem:$0x3FB7] =	sst s0;
	s0 =	simm.s32 @!p2 $0x0  }
0x16: {  	s3 =	sld [smem:$0x3FDB];
	s0 =	simm.s32 @p2 $0x1  }
0x17: {  	s4 =	simm.s32 $0x1BF5;
	[smem:$0x3FB9] =	sst s0  }
0x18: {  	s0 =	sld [smem:$0x3F9C];
	_ =	swait.ge [sflag:s4], $0x0  }
0x19: {  	s7 =	sld [smem:$0x3F9D]  }
0x1a: {  	s8 =	sadd.s32 $0xFFFFE003, lr  }
0x1b: {  	s9 =	sadd.s32 $0xFFFFFEF7, lr;
	s5 =	simm.s32 $0xFFFFFFFF;
	p2 =	slt.u32 s8, $0xFFFFF086  }
0x1c: {  	p1 =	slt.u32 s9, $0xF7A;
	s5 =	simm.s32 @!p2 $0x0  }
0x1d: {  	s5 =	simm.s32 @p1 $0x1;
	p0 =	seq.s32 s7, s2  }
0x1e: {  	s7 =	smul.u32 @!p0 $0xF7A, s2;
	p2 =	seq.s32 @!p0 s5, $0x0  }
0x1f: {  	s9 =	smul.u32 $0xF7A, s1;
	s8 =	simm.s32 @!p0 $0x1BF5;
	p2 =	por !p2, p0  }
0x20: {  	[sflag:s8] =	ssyncset.s32 @!p0 $0xFFFFF086;
	s6 =	sadd.s32 @!p0 s3, s7;
	s7 =	simm.s32 @!p0 $0x108  }
0x21: {  	s3 =	sadd.s32 s3, s9;
	s6 =	sadd.s32 @!p0 $0x88, s6;
	s7 =	simm.s32 @p2 $0x1082  }
0x22: {  	[simem:s7], [sflag:s8] =	dma.local @!p0 [hbm:s6], $0xF7A  }
0x23: {  	s9 =	sor.u32 $0xD0000000, s2;
	s6 =	simm.s32 $0x108;
	_ =	swait.ge @!p0 [sflag:s8], $0x0  }
0x24: {  	s3 =	sadd.s32 $0x88, s3;
	s6 =	simm.s32 @!p1 $0x1082;
	[sflag:s4] =	ssyncset.s32 $0xFFFFF086  }
0x25: {  	[simem:s6], [sflag:s4] =	dma.local [hbm:s3], $0xF7A  }
0x26: {  	[smem:$0x3F9D] =	sst s1;
	(tag) =	ssettag s2;
	_ =	strace s9  }
0x27: {  	s1 =	sld [smem:$0x3FAD]  }
0x28: {  	s2 =	sld [smem:$0x3FAE]  }
0x29: {  	s4 =	sld [smem:$0x3FB0]  }
0x2a: {  	p0 =	seq.s32 s5, $0x0;
	s5 =	sld [smem:$0x3FB1]  }
0x2b: {  	s6 =	sld [smem:$0x3FB2]  }
0x2c: {  	s7 =	sld [smem:$0x3FB3]  }
0x2d: {  	s3 =	simm.s32 $0x108;
	s8 =	sld [smem:$0x3FB4]  }
0x2e: {  	s3 =	simm.s32 @!p0 $0x1082;
	s9 =	sld [smem:$0x3FB5]  }
0x2f: {  	lr =	sadd.s32 s0, s3;
	s0 =	sld [smem:$0x3FAC]  }
0x30: {  	s3 =	sld [smem:$0x3FAF]  }
0x31: {  	[smem:$0x3FB8] =	sst s10  }
0x32: {  	s10 =	sld [smem:$0x3FB6];
	_ =	sdelay $0x3  }
0x33: {  	p0 =	seq.s32 s10, $0x1;
	s10 =	sld [smem:$0x3FB8];
	_ =	sdelay $0x3  }
0x34: {  	[smem:$0x3FB8] =	sst s10  }
0x35: {  	s10 =	sld [smem:$0x3FB7];
	_ =	sdelay $0x3  }
0x36: {  	p1 =	seq.s32 s10, $0x1;
	s10 =	sld [smem:$0x3FB8];
	_ =	sdelay $0x3  }
0x37: {  	[smem:$0x3FB8] =	sst s10  }
0x38: {  	s10 =	sld [smem:$0x3FB9]  }
0x39: {  	_ = 	snop;
	(pc) =	sbr.ind lr, $3  }
0x3a: {  	_ = 	snop  }
0x3b: {  	_ = 	snop  }
0x3c: {  	p2 =	seq.s32 s10, $0x1;
	s10 =	sld [smem:$0x3FB8]  }
0x3d: {  	_ =	shalt  }
0x3e: {  	_ =	shalt  }
0x3f: {  	_ =	shalt  }
0x40: {  	_ =	shalt  }
0x41: {  	_ =	shalt  }
0x42: {  	_ =	shalt  }
0x43: {  	_ =	shalt  }
0x44: {  	_ =	shalt  }
0x45: {  	_ =	shalt  }
0x46: {  	_ =	shalt  }
0x47: {  	_ =	shalt  }
0x48: {  	_ =	shalt  }
0x49: {  	_ =	shalt  }
0x4a: {  	_ =	shalt  }
0x4b: {  	_ =	shalt  }
0x4c: {  	_ =	shalt  }
0x4d: {  	_ =	shalt  }
0x4e: {  	_ =	shalt  }
0x4f: {  	_ =	shalt  }
0x50: {  	_ =	shalt  }
0x51: {  	_ =	shalt  }
0x52: {  	_ =	shalt  }
0x53: {  	_ =	shalt  }
0x54: {  	_ =	shalt  }
0x55: {  	_ =	shalt  }
0x56: {  	_ =	shalt  }
0x57: {  	_ =	shalt  }
0x58: {  	_ =	shalt  }
0x59: {  	_ =	shalt  }
0x5a: {  	_ =	shalt  }
0x5b: {  	_ =	shalt  }
0x5c: {  	_ =	shalt  }
0x5d: {  	_ =	shalt  }
0x5e: {  	_ =	shalt  }
0x5f: {  	_ =	shalt  }
0x60: {  	_ =	shalt  }
0x61: {  	_ =	shalt  }
0x62: {  	_ =	shalt  }
0x63: {  	_ =	shalt  }
0x64: {  	_ =	shalt  }
0x65: {  	_ =	shalt  }
0x66: {  	_ =	shalt  }
0x67: {  	_ =	shalt  }
0x68: {  	_ =	shalt  }
0x69: {  	_ =	shalt  }
0x6a: {  	_ =	shalt  }
0x6b: {  	_ =	shalt  }
0x6c: {  	_ =	shalt  }
0x6d: {  	_ =	shalt  }
0x6e: {  	_ =	shalt  }
0x6f: {  	_ =	shalt  }
0x70: {  	_ =	shalt  }
0x71: {  	_ =	shalt  }
0x72: {  	_ =	shalt  }
0x73: {  	_ =	shalt  }
0x74: {  	_ =	shalt  }
0x75: {  	_ =	shalt  }
0x76: {  	_ =	shalt  }
0x77: {  	_ =	shalt  }
0x78: {  	_ =	shalt  }
0x79: {  	_ =	shalt  }
0x7a: {  	_ =	shalt  }
0x7b: {  	_ =	shalt  }
0x7c: {  	_ =	shalt  }
0x7d: {  	_ =	shalt  }
0x7e: {  	_ =	shalt  }
0x7f: {  	_ =	shalt  }
0x80: {  	_ =	shalt  }
0x81: {  	_ =	shalt  }
0x82: {  	_ =	shalt  }
0x83: {  	_ =	shalt  }
0x84: {  	_ =	shalt  }
0x85: {  	_ =	shalt  }
0x86: {  	_ =	shalt  }
0x87: {  	_ =	shalt  }
.Lfunc_end0:
.L_simem_size_0:
called_computation_lowered:
.L_overlay_start_0:
0x88: {  	s2 =	sld [smem:$0x3FD9]  }
0x89: {  	s3 =	sld [smem:$0x3FFE];
	_ =	sdelay $0x1  }
0x8a: {  	s1 =	srdreg.scid  }
0x8b: {  	s0 =	sand.u32 $0x1, s1  }
0x8c: {  	s17 =	sshll.u32 s0, $0xA;
	s2 =	sadd.s32 s3, s2  }
0x8d: {  	s2 =	sadd.s32 s2, s17  }
0x8e: {  	[smem:$0x3FC4] =	sst s2  }
0x8f: {  	_ = 	snop  }
0x90: {  	s2 =	sld [smem:$0x3FD0];
	(tm) =	ssettm $0x1  }
0x91: {  	s18 =	sld [smem:$0x3FFB];
	_ =	sdelay $0x3  }
0x92: {  	_ =	strace s18  }
0x93: {  	s3 =	sld [smem:$0x3FFC];
	_ =	sdelay $0x3  }
0x94: {  	_ =	strace s3  }
0x95: {  	s3 =	sld [smem:$0x3FFD];
	_ =	sdelay $0x3  }
0x96: {  	_ =	strace s3  }
0x97: {  	_ =	strace $0x8FFFFFFF  }
0x98: {  	s19 =	sld [smem:$0x3FDB];
	_ =	sdelay $0x1  }
0x99: {  	s4 =	simm.s32 $_scs_section_size  }
0x9a: {  	s5 =	simm.s32 $_size__tile_overlayer_lowered;
	s6 =	simm.s32 $_tile_overlayer_lowered  }
0x9b: {  	s22 =	simm.s32 $0x1BFF;
	s21 =	sshll.u32 s6, $0x1;
	s3 =	sadd.s32 s4, s19  }
0x9c: {  	s7 =	simm.s32 $0x0;
	s20 =	sshll.u32 s5, $0x1;
	s5 =	sadd.s32 s21, s3  }
0x9d: {  	[timem:s7], [sflag:s22] =	dma.local [hbm:s5], s20  }
0x9e: {  	_ =	swait.ge [sflag:s22], s20  }
0x9f: {  	s4 =	ssub.s32 $0x0, s20;
	[sflag:s22] =	ssyncset.done $0x0  }
0xa0: {  	[sflag:s22] =	ssyncadd.s32 s4;
	_ =	sdelay $0x1  }
0xa1: {  	s23 =	simm.s32 $0x1B8B  }
0xa2: {  	_ =	swait.ge [sflag:s23], $0x1  }
0xa3: {  	[sflag:s23] =	ssyncset.done $0x0  }
0xa4: {  	s25 =	simm.s32 $0x1B8E;
	s24 =	sld [smem:$0x3FFE];
	[sflag:s23] =	ssyncadd.s32 $0xFFFFFFFF  }
0xa5: {  	s26 =	simm.s32 $execute0_lowered;
	[smem:$0x3FD2] =	sst s25  }
0xa6: {  	s5 =	sshll.u32 s26, $0x1;
	_ =	strace $0x80000046;
	[dreg:$0x1] =	wrdreg $0xFFFFFFFF  }
0xa7: {  	s28 =	simm.s32 $_size_execute0_lowered;
	s3 =	sadd.s32 s3, s5;
	[dreg:$0x0] =	wrdreg $0x0  }
0xa8: {  	s5 =	sshll.u32 s28, $0x1;
	[dreg:$0x2] =	wrdreg s3  }
0xa9: {  	[dreg:$0x3] =	wrdreg s5  }
0xaa: {  	[dreg:$0x4] =	wrdreg $0xC0  }
0xab: {  	_ =	task [dreg:s7], $0x5FFFF  }
0xac: {  	[dreg:$0x1] =	wrdreg $0xFFFFFFFF  }
0xad: {  	[dreg:$0x0] =	wrdreg $0x60  }
0xae: {  	[dreg:$0x2] =	wrdreg s24  }
0xaf: {  	[dreg:$0x3] =	wrdreg s2  }
0xb0: {  	[dreg:$0x4] =	wrdreg $0x14DE80  }
0xb1: {  	[dreg:$0x5] =	wrdreg $0x1EBE80  }
0xb2: {  	[dreg:$0x6] =	wrdreg $0x9  }
0xb3: {  	_ =	task.clear_ibuf [dreg:s7], $0x7FFFF;
	_ =	strace $0x90000046  }
0xb4: {  	s29 =	simm.s32 $0x9;
	_ =	strace $0x80000048  }
0xb5: {  	_ =	swait.ge [sflag:s29], $0x1  }
0xb6: {  	[sflag:s29] =	ssyncadd.s32 $0xFFFFFFFF  }
0xb7: {  	_ =	strace $0x90000048  }
0xb8: {  	_ =	sfence  }
0xb9: {  	s30 =	sld [smem:$0x0];
	_ =	sdelay $0x2  }
0xba: {  	s31 =	sshll.u32 s1, $0xD;
	s1 =	sshrl.u32 s1, $0x2  }
0xbb: {  	s3 =	sand.u32 $0x4000, s31;
	s1 =	sadd.s32 s1, s30  }
0xbc: {  	s0 =	sor.u32 s3, s0;
	s1 =	sshll.u32 s1, $0x11  }
0xbd: {  	s0 =	sor.u32 s1, s0  }
0xbe: {  	s0 =	sadd.s32 $0x8F2B, s0  }
0xbf: {  	[sflag:s0] =	ssyncadd.remote.s32 $0x1  }
0xc0: {  	_ =	sfence.sel $0xFFFF  }
0xc1: {  	[dreg:$0x0] =	wrdreg $0xFFFFFFFF;
	(pc) =	sbr.abs _section_cstart, $3  }
0xc2: {  	[dreg:$0x1] =	wrdreg $0xFFFFFFFF  }
0xc3: {  	_ =	task.clear_ibuf [dreg:s7], $0x2FFFF;
	_ =	strace $0x9FFFFFFF  }
0xc4: {  	(tm) =	ssettm $0x7FFFFFFF  }
0xc5: {  	_ =	shalt  }
tec
execute0_lowered:
.L_overlay_start_1:
0x0: {  	(tag) =	ssettag $0x1  }
0x1: {  	s0 =	rddreg [dreg:$0x0]  }
0x2: {  	s2 =	rddreg [dreg:$0x1]  }
0x3: {  	s1 =	rddreg [dreg:$0x2]  }
0x4: {  	s3 =	rddreg [dreg:$0x3];
	s5 =	simm.s32 $0x0  }
0x5: {  	s4 =	srdreg.scid;
	s12 =	stileid.u32;
	s14 =	simm.s32 $0x12  }
0x6: {  	s16 =	simm.s32 $0x14A00;
	s28 =	simm.s32 $0xADC0;
	s29 =	simm.s32 $0x1  }
0x7: {  	s30 =	simm.s32 $0xCD00;
	s31 =	simm.s32 $0x2;
	s15 =	simm.s32 $0x10B80  }
0x8: {  	s13 =	simm.s32 $0x11;
	[smem:$0x7FF] =	sst s5;
	s4 =	sand.u32 $0x1, s4  }
0x9: {  	s6 =	smul.u32 $0x13C00, s12;
	s5 =	sadd.s32 $0x1A00, s0;
	s8 =	sadd.s32 $0x16C00, s0  }
0xa: {  	s18 =	sadd.s32 $0x15400, s0;
	s19 =	smul.u32 $0x2780, s12;
	s10 =	sshll.u32 s12, $0x1  }
0xb: {  	s11 =	sadd.s32 $0x16800, s0;
	_ =	strace $0x80000047;
	[dreg:$0x5] =	wrdreg s8  }
0xc: {  	s26 =	sshll.u32 s12, $0x6;
	s7 =	smul.u32 $0x13C000, s4;
	[dreg:$0x6] =	wrdreg s18  }
0xd: {  	s12 =	simm.s32 $0xC;
	s9 =	smul.u32 $0x27800, s4;
	[dreg:$0x7] =	wrdreg s11  }
0xe: {  	s10 =	sor.u32 s4, s10;
	s4 =	ssub.s32 $0x2, s4;
	s17 =	sor.u32 $0x1C12, s26  }
0xf: {  	s26 =	simm.s32 $0x5;
	s11 =	simm.s32 $0xB;
	s10 =	smul.u32 $0x2800, s10  }
0x10: {  	s20 =	sshrl.u32 s4, $0x1;
	s22 =	sshrl.u32 s6, $0x1;
	s23 =	sshrl.u32 s19, $0x1  }
0x11: {  	[dreg:$0xd] =	wrdreg s17;
	s7 =	sadd.s32 s6, s7;
	s9 =	sadd.s32 s19, s9  }
0x12: {  	s4 =	ssub.s32 s4, s20;
	s6 =	sadd.s32 s23, s3;
	s20 =	simm.s32 $0x7D  }
0x13: {  	s23 =	simm.s32 $0x6F40;
	s7 =	sshrl.u32 s7, $0x4;
	s9 =	sshrl.u32 s9, $0x4  }
0x14: {  	s21 =	sshrl.u32 s10, $0x3;
	s25 =	smax.u32 s4, $0x1;
	s19 =	sshrl.u32 s6, $0x3  }
0x15: {  	s6 =	simm.s32 $0x7;
	s7 =	sadd.s32 s7, s0;
	s0 =	sadd.s32 s9, s0  }
0x16: {  	s9 =	sadd.s32 s2, s21;
	s2 =	sadd.s32 s22, s1;
	[dreg:$0xc] =	wrdreg s25  }
0x17: {  	s21 =	simm.s32 $0x5000;
	s25 =	simm.s32 $0x8E80;
	[dreg:$0xf] =	wrdreg s19  }
0x18: {  	s22 =	simm.s32 $0x4;
	[dreg:$0x8] =	wrdreg s9;
	s24 =	sadd.s32 $0xA000, s9  }
0x19: {  	s7 =	sadd.s32 $0x16E00, s7;
	s0 =	sadd.s32 $0x3E600, s0;
	[dreg:$0x9] =	wrdreg s24  }
0x1a: {  	s18 =	sshrl.u32 s2, $0x3;
	s2 =	simm.s32 $0x3;
	[dreg:$0xa] =	wrdreg s7  }
0x1b: {  	s9 =	simm.s32 $0x0;
	[dreg:$0xb] =	wrdreg s0;
	s0 =	simm.s32 $0xEC40  }
0x1c: {  	s24 =	simm.s32 $0x12AC0;
	s7 =	simm.s32 $0x8;
	[dreg:$0xe] =	wrdreg s18  }
.LBB2_1:
0x1d: {  	s4 =	simm.s32 $0x0;
	s8 =	rddreg [dreg:$0x8]  }
0x1e: {  	[tilespmem:s4], [sflag:$0x12] =	stream.linear.gather [hbm4b:s8+s4], $0x2800, $0x38;
	[tilespmem:$0x1FFA8] =	vst v63  }
0x1f: {  	_ =	swait.ge [sflag:s14], $0x2800  }
0x20: {  	[sflag:s14] =	ssyncset.done $0x0  }
0x21: {  	s10 =	simm.s32 $0x2800;
	s8 =	rddreg [dreg:$0x9];
	[sflag:s14] =	ssyncadd.s32 $0xFFFFD800  }
0x22: {  	[tilespmem:s10], [sflag:$0x12] =	stream.linear.gather [hbm4b:s8+s4], $0x2800, $0x38;
	[tilespmem:$0x1FFA8] =	vst v63  }
0x23: {  	_ =	swait.ge [sflag:s14], $0x2800  }
0x24: {  	[sflag:s14] =	ssyncset.done $0x0  }
0x25: {  	s10 =	rddreg [dreg:$0x5];
	[sflag:s14] =	ssyncadd.s32 $0xFFFFD800  }
0x26: {  	[tilespmem:s16], [sflag:$0x12] =	stream.linear.gather [hbm4b:s10+s4], $0x3E8, $0x38;
	[tilespmem:$0x1FFA8] =	vst v63  }
0x27: {  	_ =	swait.ge [sflag:s14], $0x3E8  }
0x28: {  	[sflag:s14] =	ssyncset.done $0x0  }
0x29: {  	s10 =	rddreg [dreg:$0x6];
	[sflag:s14] =	ssyncadd.s32 $0xFFFFFC18  }
0x2a: {  	[spmem:s18], [sflag:s17] =	dma.local [hbm:s10], $0x13C0  }
0x2b: {  	_ =	swait.ge [sflag:s14], $0x13C0  }
0x2c: {  	[sflag:s14] =	ssyncset.done $0x0  }
0x2d: {  	s10 =	rddreg [dreg:$0x7];
	[sflag:s14] =	ssyncadd.s32 $0xFFFFEC40  }
0x2e: {  	[spmem:s19], [sflag:s17] =	dma.local [hbm:s10], $0x278  }
0x2f: {  	_ =	swait.ge [sflag:s14], $0x278  }
0x30: {  	[sflag:s14] =	ssyncset.done $0x0  }
0x31: {  	[sflag:s14] =	ssyncadd.s32 $0xFFFFFD88  }
0x32: {  	[bflag:$0x0] =	sbarrier.arrive $0xFFFF  }
0x33: {  	[tilespmem:s21], [sflag:$0x1] =	stream.indirect.gather [hbm4b:s5+s20], $0x40, s4, s20, $0xb8;
	[tilespmem:$0x1FFA8] =	vst v63  }
0x34: {  	s17 =	simm.s32 $0x80  }
0x35: {  	[tilespmem:s23], [sflag:$0x2] =	stream.indirect.gather [hbm4b:s5+s20], $0x40, s17, s20, $0xb8;
	[tilespmem:$0x1FFA8] =	vst v63  }
0x36: {  	s18 =	simm.s32 $0x100  }
0x37: {  	[tilespmem:s25], [sflag:$0x3] =	stream.indirect.gather [hbm4b:s5+s20], $0x40, s18, s20, $0xb8;
	[tilespmem:$0x1FFA8] =	vst v63  }
0x38: {  	s8 =	simm.s32 $0x0;
	s19 =	simm.s32 $0x180  }
0x39: {  	[tilespmem:s28], [sflag:$0x4] =	stream.indirect.gather [hbm4b:s5+s20], $0x40, s19, s20, $0xb8;
	[tilespmem:$0x1FFA8] =	vst v63  }
.LBB2_2:
0x3a: {  	_ =	swait.ge [sflag:s29], $0x1F40  }
0x3b: {  	s10 =	sshra.s32 s8, $0x2;
	[sflag:s29] =	ssyncset.done $0x0  }
0x3c: {  	s4 =	sadd.s32 $0x2800, s10;
	[sflag:s29] =	ssyncadd.s32 $0xFFFFE0C0  }
0x3d: {  	[spmem:s1] =	stream.indirect.scatter.add.bf16 [tilespmem:s21], [sflag:$0x9], $0x40, s4, s20, $0xb8;
	[tilespmem:$0x1FFA8] =	vst v63  }
0x3e: {  	p0 =	seq.s32 s8, $0x0  }
0x3f: {  	[spmem:s3] =	stream.indirect.scatter.add.bf16 [tilespmem:s16], [sflag:$0x11], $0x8, s4, s20, $0xb8;
	[tilespmem:$0x1FFA8] =	vst v63  }
0x40: {  	s4 =	simm.s32 @!p0 $0xD  }
0x41: {  	_ =	swait.ge @!p0 [sflag:s4], $0x1F40  }
0x42: {  	[sflag:s4] =	ssyncset.done @!p0 $0x0  }
0x43: {  	s17 =	sadd.s32 $0x200, s10;
	[sflag:s4] =	ssyncadd.s32 @!p0 $0xFFFFE0C0  }
0x44: {  	[tilespmem:s30], [sflag:$0x5] =	stream.indirect.gather [hbm4b:s5+s20], $0x40, s17, s20, $0xb8;
	[tilespmem:$0x1FFA8] =	vst v63  }
0x45: {  	_ =	swait.ge [sflag:s31], $0x1F40  }
0x46: {  	[sflag:s31] =	ssyncset.done $0x0  }
0x47: {  	s18 =	sadd.s32 $0x2880, s10;
	[sflag:s31] =	ssyncadd.s32 $0xFFFFE0C0  }
0x48: {  	[spmem:s1] =	stream.indirect.scatter.add.bf16 [tilespmem:s23], [sflag:$0xA], $0x40, s18, s20, $0xb8;
	[tilespmem:$0x1FFA8] =	vst v63  }
0x49: {  	s4 =	simm.s32 @!p0 $0xE  }
0x4a: {  	[spmem:s3] =	stream.indirect.scatter.add.bf16 [tilespmem:s16], [sflag:$0x11], $0x8, s18, s20, $0xb8;
	[tilespmem:$0x1FFA8] =	vst v63  }
0x4b: {  	_ =	swait.ge @!p0 [sflag:s4], $0x1F40  }
0x4c: {  	[sflag:s4] =	ssyncset.done @!p0 $0x0  }
0x4d: {  	s19 =	sadd.s32 $0x280, s10;
	[sflag:s4] =	ssyncadd.s32 @!p0 $0xFFFFE0C0  }
0x4e: {  	[tilespmem:s0], [sflag:$0x6] =	stream.indirect.gather [hbm4b:s5+s20], $0x40, s19, s20, $0xb8;
	[tilespmem:$0x1FFA8] =	vst v63  }
0x4f: {  	_ =	swait.ge [sflag:s2], $0x1F40  }
0x50: {  	[sflag:s2] =	ssyncset.done $0x0  }
0x51: {  	s17 =	sadd.s32 $0x2900, s10;
	[sflag:s2] =	ssyncadd.s32 $0xFFFFE0C0  }
0x52: {  	[spmem:s1] =	stream.indirect.scatter.add.bf16 [tilespmem:s25], [sflag:$0xB], $0x40, s17, s20, $0xb8;
	[tilespmem:$0x1FFA8] =	vst v63  }
0x53: {  	s4 =	simm.s32 @!p0 $0xF  }
0x54: {  	[spmem:s3] =	stream.indirect.scatter.add.bf16 [tilespmem:s16], [sflag:$0x11], $0x8, s17, s20, $0xb8;
	[tilespmem:$0x1FFA8] =	vst v63  }
0x55: {  	_ =	swait.ge @!p0 [sflag:s4], $0x1F40  }
0x56: {  	[sflag:s4] =	ssyncset.done @!p0 $0x0  }
0x57: {  	s18 =	sadd.s32 $0x300, s10;
	[sflag:s4] =	ssyncadd.s32 @!p0 $0xFFFFE0C0  }
0x58: {  	[tilespmem:s15], [sflag:$0x7] =	stream.indirect.gather [hbm4b:s5+s20], $0x40, s18, s20, $0xb8;
	[tilespmem:$0x1FFA8] =	vst v63  }
0x59: {  	_ =	swait.ge [sflag:s22], $0x1F40  }
0x5a: {  	[sflag:s22] =	ssyncset.done $0x0  }
0x5b: {  	s19 =	sadd.s32 $0x2980, s10;
	[sflag:s22] =	ssyncadd.s32 $0xFFFFE0C0  }
0x5c: {  	[spmem:s1] =	stream.indirect.scatter.add.bf16 [tilespmem:s28], [sflag:$0xC], $0x40, s19, s20, $0xb8;
	[tilespmem:$0x1FFA8] =	vst v63  }
0x5d: {  	s4 =	simm.s32 @!p0 $0x10  }
0x5e: {  	[spmem:s3] =	stream.indirect.scatter.add.bf16 [tilespmem:s16], [sflag:$0x11], $0x8, s19, s20, $0xb8;
	[tilespmem:$0x1FFA8] =	vst v63  }
0x5f: {  	_ =	swait.ge @!p0 [sflag:s4], $0x1F40  }
0x60: {  	[sflag:s4] =	ssyncset.done @!p0 $0x0  }
0x61: {  	s17 =	sadd.s32 $0x380, s10;
	[sflag:s4] =	ssyncadd.s32 @!p0 $0xFFFFE0C0  }
0x62: {  	[tilespmem:s24], [sflag:$0x8] =	stream.indirect.gather [hbm4b:s5+s20], $0x40, s17, s20, $0xb8;
	[tilespmem:$0x1FFA8] =	vst v63  }
0x63: {  	_ =	swait.ge [sflag:s26], $0x1F40  }
0x64: {  	[sflag:s26] =	ssyncset.done $0x0  }
0x65: {  	s18 =	sadd.s32 $0x2A00, s10;
	p0 =	seq.s32 s8, $0x9000;
	[sflag:s26] =	ssyncadd.s32 $0xFFFFE0C0  }
0x66: {  	[spmem:s1] =	stream.indirect.scatter.add.bf16 [tilespmem:s30], [sflag:$0xD], $0x40, s18, s20, $0xb8;
	[tilespmem:$0x1FFA8] =	vst v63  }
0x67: {  	s4 =	simm.s32 @p0 $0x6  }
0x68: {  	[spmem:s3] =	stream.indirect.scatter.add.bf16 [tilespmem:s16], [sflag:$0x11], $0x8, s18, s20, $0xb8;
	[tilespmem:$0x1FFA8] =	vst v63  }
0x69: {  	_ =	swait.ge @p0 [sflag:s4], $0x1F40  }
0x6a: {  	[sflag:s4] =	ssyncset.done @p0 $0x0  }
0x6b: {  	[sflag:s4] =	ssyncadd.s32 @p0 $0xFFFFE0C0;
	s4 =	sshra.s32 @p0 s8, $0x2  }
0x6c: {  	s19 =	simm.s32 @p0 $0xEC40;
	s18 =	simm.s32 @p0 $0x7D;
	s4 =	sadd.s32 @p0 $0x2A80, s4  }
0x6d: {  	[spmem:s1] =	stream.indirect.scatter.add.bf16 @p0 [tilespmem:s19], [sflag:$0xE], $0x40, s4, s18, $0xb8;
	[tilespmem:$0x1FFA8] =	vst v63  }
0x6e: {  	s19 =	simm.s32 @p0 $0x14A00  }
0x6f: {  	[spmem:s3] =	stream.indirect.scatter.add.bf16 @p0 [tilespmem:s19], [sflag:$0x11], $0x8, s4, s18, $0xb8;
	[tilespmem:$0x1FFA8] =	vst v63  }
0x70: {  	s4 =	simm.s32 @!p0 $0x9  }
0x71: {  	_ =	swait.ge @!p0 [sflag:s4], $0x1F40  }
0x72: {  	[sflag:s4] =	ssyncset.done @!p0 $0x0  }
0x73: {  	[sflag:s4] =	ssyncadd.s32 @!p0 $0xFFFFE0C0;
	s4 =	sshra.s32 @!p0 s8, $0x2  }
0x74: {  	s17 =	simm.s32 @!p0 $0x5000;
	s19 =	simm.s32 @!p0 $0x7D;
	s18 =	sadd.s32 @!p0 $0x400, s4  }
0x75: {  	[tilespmem:s17], [sflag:$0x1] =	stream.indirect.gather @!p0 [hbm4b:s5+s19], $0x40, s18, s19, $0xb8;
	[tilespmem:$0x1FFA8] =	vst v63  }
0x76: {  	s17 =	simm.s32 @!p0 $0x6  }
0x77: {  	_ =	swait.ge @!p0 [sflag:s17], $0x1F40  }
0x78: {  	[sflag:s17] =	ssyncset.done @!p0 $0x0  }
0x79: {  	s18 =	simm.s32 @!p0 $0xEC40;
	[sflag:s17] =	ssyncadd.s32 @!p0 $0xFFFFE0C0;
	s17 =	sadd.s32 @!p0 $0x2A80, s4  }
0x7a: {  	[spmem:s1] =	stream.indirect.scatter.add.bf16 @!p0 [tilespmem:s18], [sflag:$0xE], $0x40, s17, s19, $0xb8;
	[tilespmem:$0x1FFA8] =	vst v63  }
0x7b: {  	s18 =	simm.s32 @!p0 $0x14A00  }
0x7c: {  	[spmem:s3] =	stream.indirect.scatter.add.bf16 @!p0 [tilespmem:s18], [sflag:$0x11], $0x8, s17, s19, $0xb8;
	[tilespmem:$0x1FFA8] =	vst v63  }
0x7d: {  	s17 =	simm.s32 @!p0 $0xA  }
0x7e: {  	_ =	swait.ge @!p0 [sflag:s17], $0x1F40  }
0x7f: {  	[sflag:s17] =	ssyncset.done @!p0 $0x0  }
0x80: {  	s4 =	sadd.s32 @!p0 $0x480, s4;
	[sflag:s17] =	ssyncadd.s32 @!p0 $0xFFFFE0C0;
	s17 =	simm.s32 @!p0 $0x6F40  }
0x81: {  	[tilespmem:s17], [sflag:$0x2] =	stream.indirect.gather @!p0 [hbm4b:s5+s19], $0x40, s4, s19, $0xb8;
	[tilespmem:$0x1FFA8] =	vst v63  }
0x82: {  	_ =	swait.ge [sflag:s6], $0x1F40  }
.Ltmp0:
0x83: {  	[sflag:s6] =	ssyncset.done $0x0;
	(pc) =	sbr.rel @p0 .LBB2_4-.Ltmp0, $4  }
0x84: {  	s19 =	sadd.s32 $0x2B00, s10;
	[sflag:s6] =	ssyncadd.s32 $0xFFFFE0C0  }
0x85: {  	[spmem:s1] =	stream.indirect.scatter.add.bf16 [tilespmem:s15], [sflag:$0xF], $0x40, s19, s20, $0xb8;
	[tilespmem:$0x1FFA8] =	vst v63  }
0x86: {  	s4 =	sadd.s32 $0x2B80, s10  }
0x87: {  	[spmem:s3] =	stream.indirect.scatter.add.bf16 [tilespmem:s16], [sflag:$0x11], $0x8, s19, s20, $0xb8;
	[tilespmem:$0x1FFA8] =	vst v63  }
0x88: {  	_ =	swait.ge [sflag:s11], $0x1F40  }
0x89: {  	[sflag:s11] =	ssyncset.done $0x0  }
0x8a: {  	s17 =	sadd.s32 $0x500, s10;
	[sflag:s11] =	ssyncadd.s32 $0xFFFFE0C0  }
0x8b: {  	[tilespmem:s25], [sflag:$0x3] =	stream.indirect.gather [hbm4b:s5+s20], $0x40, s17, s20, $0xb8;
	[tilespmem:$0x1FFA8] =	vst v63  }
0x8c: {  	_ =	swait.ge [sflag:s7], $0x1F40  }
0x8d: {  	[sflag:s7] =	ssyncset.done $0x0  }
0x8e: {  	[sflag:s7] =	ssyncadd.s32 $0xFFFFE0C0  }
0x8f: {  	[spmem:s1] =	stream.indirect.scatter.add.bf16 [tilespmem:s24], [sflag:$0x10], $0x40, s4, s20, $0xb8;
	[tilespmem:$0x1FFA8] =	vst v63  }
0x90: {  	_ = 	snop  }
0x91: {  	[spmem:s3] =	stream.indirect.scatter.add.bf16 [tilespmem:s16], [sflag:$0x11], $0x8, s4, s20, $0xb8;
	[tilespmem:$0x1FFA8] =	vst v63  }
.Ltmp1:
0x92: {  	_ = 	snop;
	(pc) =	sbr.rel .LBB2_2-.Ltmp1, $4  }
0x93: {  	_ =	swait.ge [sflag:s12], $0x1F40  }
0x94: {  	[sflag:s12] =	ssyncset.done $0x0  }
0x95: {  	s19 =	sadd.s32 $0x580, s10;
	s8 =	sadd.s32 $0x1000, s8;
	[sflag:s12] =	ssyncadd.s32 $0xFFFFE0C0  }
0x96: {  	[tilespmem:s28], [sflag:$0x4] =	stream.indirect.gather [hbm4b:s5+s20], $0x40, s19, s20, $0xb8;
	[tilespmem:$0x1FFA8] =	vst v63  }
.LBB2_4:
0x97: {  	_ =	swait.ge [sflag:s7], $0x1F40  }
0x98: {  	[sflag:s7] =	ssyncset.done $0x0  }
0x99: {  	[sflag:s7] =	ssyncadd.s32 $0xFFFFE0C0  }
0x9a: {  	[spmem:s1] =	stream.indirect.scatter.add.bf16 [tilespmem:s24], [sflag:$0x10], $0x40, s4, s20, $0xb8;
	[tilespmem:$0x1FFA8] =	vst v63  }
0x9b: {  	s19 =	simm.s32 $0x9  }
0x9c: {  	[spmem:s3] =	stream.indirect.scatter.add.bf16 [tilespmem:s16], [sflag:$0x11], $0x8, s4, s20, $0xb8;
	[tilespmem:$0x1FFA8] =	vst v63  }
0x9d: {  	_ =	swait.ge [sflag:s19], $0x1F40  }
0x9e: {  	[sflag:s19] =	ssyncset.done $0x0  }
0x9f: {  	s8 =	simm.s32 $0xA;
	[sflag:s19] =	ssyncadd.s32 $0xFFFFE0C0  }
0xa0: {  	_ =	swait.ge [sflag:s8], $0x1F40  }
0xa1: {  	[sflag:s8] =	ssyncset.done $0x0  }
0xa2: {  	[sflag:s8] =	ssyncadd.s32 $0xFFFFE0C0  }
0xa3: {  	_ =	swait.ge [sflag:s11], $0x1F40  }
0xa4: {  	[sflag:s11] =	ssyncset.done $0x0  }
0xa5: {  	[sflag:s11] =	ssyncadd.s32 $0xFFFFE0C0  }
0xa6: {  	_ =	swait.ge [sflag:s12], $0x1F40  }
0xa7: {  	[sflag:s12] =	ssyncset.done $0x0  }
0xa8: {  	s10 =	simm.s32 $0xD;
	[sflag:s12] =	ssyncadd.s32 $0xFFFFE0C0  }
0xa9: {  	_ =	swait.ge [sflag:s10], $0x1F40  }
0xaa: {  	[sflag:s10] =	ssyncset.done $0x0  }
0xab: {  	s17 =	simm.s32 $0xE;
	[sflag:s10] =	ssyncadd.s32 $0xFFFFE0C0  }
0xac: {  	_ =	swait.ge [sflag:s17], $0x1F40  }
0xad: {  	[sflag:s17] =	ssyncset.done $0x0  }
0xae: {  	s18 =	simm.s32 $0xF;
	[sflag:s17] =	ssyncadd.s32 $0xFFFFE0C0  }
0xaf: {  	_ =	swait.ge [sflag:s18], $0x1F40  }
0xb0: {  	[sflag:s18] =	ssyncset.done $0x0  }
0xb1: {  	s19 =	simm.s32 $0x10;
	[sflag:s18] =	ssyncadd.s32 $0xFFFFE0C0  }
0xb2: {  	_ =	swait.ge [sflag:s19], $0x1F40  }
0xb3: {  	[sflag:s19] =	ssyncset.done $0x0  }
0xb4: {  	[sflag:s19] =	ssyncadd.s32 $0xFFFFE0C0  }
0xb5: {  	_ =	swait.ge [sflag:s13], $0x3E8  }
0xb6: {  	s18 =	rddreg [dreg:$0xe]  }
0xb7: {  	s4 =	simm.s32 $0x4F;
	[sflag:s13] =	ssyncset.done $0x0;
	s19 =	rddreg [dreg:$0xf]  }
.LBB2_5:
0xb8: {  	p0 =	sne.s32 s4, $0x1;
	s4 =	sadd.s32 $0xFFFFFFFF, s4;
	[sflag:s13] =	ssyncadd.s32 $0xFFFFFC18  }
.Ltmp2:
0xb9: {  	(pc) =	sbr.rel @p0 .LBB2_5-.Ltmp2, $3  }
0xba: {  	_ =	sdelay $0x1  }
0xbb: {  	_ =	swait.ge [sflag:s13], $0x3E8  }
0xbc: {  	[sflag:s13] =	ssyncset.done $0x0  }
0xbd: {  	[sflag:s13] =	ssyncadd.s32 $0xFFFFFC18  }
0xbe: {  	[bflag:$0x0] =	sbarrier.arrive $0xFFFF  }
0xbf: {  	s4 =	rddreg [dreg:$0xa]  }
0xc0: {  	s17 =	rddreg [dreg:$0xd]  }
0xc1: {  	[hbm:s4], [sflag:s17] =	dma.local [spmem:s18], $0x13C0  }
0xc2: {  	_ =	swait.ge [sflag:s14], $0x13C0  }
0xc3: {  	[sflag:s14] =	ssyncset.done $0x0  }
0xc4: {  	s8 =	rddreg [dreg:$0xb];
	[sflag:s14] =	ssyncadd.s32 $0xFFFFEC40  }
0xc5: {  	[hbm:s8], [sflag:s17] =	dma.local [spmem:s19], $0x278  }
0xc6: {  	_ =	swait.ge [sflag:s14], $0x278  }
0xc7: {  	s9 =	sadd.s32 $0x1, s9;
	s10 =	rddreg [dreg:$0xc]  }
0xc8: {  	p0 =	sne.s32 s9, s10  }
.Ltmp3:
0xc9: {  	_ = 	snop;
	(pc) =	sbr.rel @p0 .LBB2_1-.Ltmp3, $3  }
0xca: {  	_ =	sdelay $0x1  }
0xcb: {  	[sflag:s14] =	ssyncset.done $0x0  }
0xcc: {  	[sflag:s14] =	ssyncadd.s32 $0xFFFFFD88  }
0xcd: {  	_ =	sfence.sel $0x180000  }
0xce: {  	[bflag:$0x0] =	sbarrier.arrive $0xFFFF  }
0xcf: {  	_ =	strace $0x90000047  }
0xd0: {  	s0 =	stileid.u32;
	[bflag:$0x2] =	sbarrier.arrive $0xFFFF  }
0xd1: {  	p0 =	sne.s32 s0, $0x0;
	s0 =	rddreg [dreg:$0x4]  }
0xd2: {  	s0 =	sadd.s32 @!p0 $0x100000, s0  }
0xd3: {  	[sflag:s0] =	ssyncadd.tile.s32 @!p0 $0x1;
	_ =	shalt  }
.Lfunc_end2:
_tile_overlayer_lowered:
.L_overlay_start_2:
0xd4: {  	(tag) =	ssettag $0x2  }
0xd5: {  	s0 =	rddreg [dreg:$0x0];
	s2 =	stileid.u32  }
0xd6: {  	s1 =	rddreg [dreg:$0x1];
	p0 =	sne.s32 s2, $0x0  }
0xd7: {  	s3 =	rddreg [dreg:$0x2];
	[bflag:$0x3] =	sbarrier.arrive $0xFFFF;
	s2 =	simm.s32 @!p0 $0x1C12  }
0xd8: {  	[timem:s3], [sflag:s2] =	dma.local @!p0 [hbm:s0], s1  }
0xd9: {  	s0 =	simm.s32 @!p0 $0x12  }
0xda: {  	_ =	swait.ge @!p0 [sflag:s0], s1  }
0xdb: {  	s1 =	ssub.s32 @!p0 $0x0, s1;
	[sflag:s0] =	ssyncset.done @!p0 $0x0  }
0xdc: {  	[sflag:s0] =	ssyncadd.s32 @!p0 s1  }
0xdd: {  	[bflag:$0x3] =	sbarrier.arrive $0xFFFF  }
0xde: {  	_ =	shalt  }

</sc_bundles>
